<compile_context>
chip_gen: v7x
topology: tpu7x:2x2x1
jax: 0.10.2.dev20260603
libtpu: 0.0.44.dev20260713+nightly
codegen_flags: <defaults>
</compile_context>

<pallas_src>
import functools

import jax
import jax.numpy as jnp
from jax import lax
from jax.experimental import pallas as pl
from jax.experimental.pallas import tpu as pltpu
from jax.experimental.pallas import tpu_sc as plsc

NC = 2
NS = 16
L = 16
CH = 128


def _sc_mesh():
    return plsc.VectorSubcoreMesh(core_axis_name="c", subcore_axis_name="s")


def _make_bincount(nw, nb, na):
    rpt = na // NS
    bpt = nw // NS

    @functools.partial(
        pl.kernel,
        out_type=jax.ShapeDtypeStruct((2, na), jnp.float32),
        mesh=_sc_mesh(),
        compiler_params=pltpu.CompilerParams(needs_layout_passes=False),
        scratch_types=[
            pltpu.VMEM((nb, CH), jnp.int32),
            pltpu.VMEM((na,), jnp.float32),
            pltpu.VMEM((NS, rpt), jnp.float32),
            pltpu.VMEM((rpt,), jnp.float32),
            pltpu.VMEM_SHARED((NS, na), jnp.float32),
        ],
    )
    def bincount(edges_hbm, out_hbm, idx_v, hist_v, red_v, deg_v, shared_h):
        c = lax.axis_index("c")
        s = lax.axis_index("s")
        zeros = jnp.zeros((L,), jnp.float32)
        ones = jnp.ones((L,), jnp.float32)

        def zero_body(i, _):
            hist_v[pl.ds(i * L, L)] = zeros
            return 0
        lax.fori_loop(0, na // L, zero_body, 0)

        for bi in range(bpt):
            pltpu.sync_copy(edges_hbm.at[c, s * bpt + bi], idx_v)

            def acc_body(j, _):
                for k in range(CH // L):
                    idx16 = idx_v[j, pl.ds(k * L, L)]
                    plsc.addupdate_scatter(hist_v, [idx16], ones)
                return 0
            lax.fori_loop(0, nb, acc_body, 0)

        pltpu.sync_copy(hist_v, shared_h.at[s])
        plsc.subcore_barrier()

        for t in range(NS):
            pltpu.sync_copy(shared_h.at[t, pl.ds(s * rpt, rpt)], red_v.at[t])

        def red_body(i, _):
            v = red_v[0, pl.ds(i * L, L)]
            for t in range(1, NS):
                v = v + red_v[t, pl.ds(i * L, L)]
            deg_v[pl.ds(i * L, L)] = v
            return 0
        lax.fori_loop(0, rpt // L, red_body, 0)

        pltpu.sync_copy(deg_v, out_hbm.at[c, pl.ds(s * rpt, rpt)])

    return bincount


def _make_msgpass(nw, nb, na, d):
    rpt = na // NS

    @functools.partial(
        pl.kernel,
        out_type=jax.ShapeDtypeStruct((2, na, d), jnp.float32),
        mesh=_sc_mesh(),
        scratch_types=[
            pltpu.VMEM((nb, CH), jnp.int32),
            pltpu.VMEM((nb, CH), jnp.int32),
            pltpu.VMEM((CH, d), jnp.float32),
            pltpu.VMEM_SHARED((na, d), jnp.float32),
            pltpu.SemaphoreType.DMA,
        ],
    )
    def msgpass(zs_hbm, edges_hbm, out_hbm, src_v, dst_v, rows_v, acc_sh, gsem):
        c = lax.axis_index("c")
        s = lax.axis_index("s")
        w = c * NS + s
        zeros = jnp.zeros((L,), jnp.float32)

        pltpu.sync_copy(edges_hbm.at[0, w], src_v)
        pltpu.sync_copy(edges_hbm.at[1, w], dst_v)

        def zrow(i, _):
            for k in range(d // L):
                rows_v[i, pl.ds(k * L, L)] = zeros
            return 0
        lax.fori_loop(0, CH, zrow, 0)
        for q in range(rpt // CH):
            pltpu.sync_copy(rows_v, acc_sh.at[pl.ds(s * rpt + q * CH, CH)])
        plsc.subcore_barrier()

        def edge_body(j, _):
            pltpu.async_copy(zs_hbm.at[src_v.at[j]], rows_v, gsem).wait()
            pltpu.sync_copy(rows_v, acc_sh.at[dst_v.at[j]], add=True)
            return 0
        lax.fori_loop(0, nb, edge_body, 0)

        plsc.subcore_barrier()
        pltpu.sync_copy(acc_sh.at[pl.ds(s * rpt, rpt)],
                        out_hbm.at[c, pl.ds(s * rpt, rpt)])

    return msgpass


def _tc_matmul_body(x_ref, w_ref, o_ref):
    o_ref[...] = jnp.dot(x_ref[...], w_ref[...],
                         preferred_element_type=jnp.float32)


def _tc_scale_body(y_ref, d_ref, o_ref):
    o_ref[...] = y_ref[...] * lax.rsqrt(jnp.maximum(d_ref[...], 1.0))


def _tc_combine_body(p_ref, d_ref, b_ref, o_ref):
    nd = lax.rsqrt(jnp.maximum(d_ref[...], 1.0))
    o_ref[...] = (p_ref[0] + p_ref[1]) * nd + b_ref[...]


def kernel(features, edge_index, W, b):
    n, d_in = features.shape
    d_out = W.shape[1]
    e = edge_index.shape[1]

    nw = NC * NS
    rpt = (-(-n // NS) + CH - 1) // CH * CH
    na = NS * rpt
    ept = -(-e // (nw * CH)) * CH
    nb = ept // CH
    e_pad = nw * ept

    pad2 = jnp.full((2, e_pad - e), n, jnp.int32)
    edges = jnp.concatenate([edge_index, pad2], axis=1).reshape(2, nw, nb, CH)

    degs = _make_bincount(nw, nb, na)(edges)
    rows_blk = 2000
    y = pl.pallas_call(
        _tc_matmul_body,
        grid=(n // rows_blk,),
        in_specs=[
            pl.BlockSpec((rows_blk, d_in), lambda i: (i, 0)),
            pl.BlockSpec((d_in, d_out), lambda i: (0, 0)),
        ],
        out_specs=pl.BlockSpec((rows_blk, d_out), lambda i: (i, 0)),
        out_shape=jax.ShapeDtypeStruct((n, d_out), jnp.float32),
    )(features, W)

    ds_col = degs[0, :n].reshape(n, 1)
    zs = pl.pallas_call(
        _tc_scale_body,
        grid=(n // rows_blk,),
        in_specs=[
            pl.BlockSpec((rows_blk, d_out), lambda i: (i, 0)),
            pl.BlockSpec((rows_blk, 1), lambda i: (i, 0)),
        ],
        out_specs=pl.BlockSpec((rows_blk, d_out), lambda i: (i, 0)),
        out_shape=jax.ShapeDtypeStruct((na, d_out), jnp.float32),
    )(y, ds_col)

    parts = _make_msgpass(nw, nb, na, d_out)(zs, edges)

    dd_col = degs[1].reshape(na, 1)
    b_row = b.reshape(1, d_out)
    out_blk = 1000
    out = pl.pallas_call(
        _tc_combine_body,
        grid=(n // out_blk,),
        in_specs=[
            pl.BlockSpec((2, out_blk, d_out), lambda i: (0, i, 0)),
            pl.BlockSpec((out_blk, 1), lambda i: (i, 0)),
            pl.BlockSpec((1, d_out), lambda i: (0, 0)),
        ],
        out_specs=pl.BlockSpec((out_blk, d_out), lambda i: (i, 0)),
        out_shape=jax.ShapeDtypeStruct((n, d_out), jnp.float32),
    )(parts, dd_col, b_row)

    return out

# --- scband reference (transcript-rebuilt; emitter-appended) ---
"""Pipeline reference for scband-gnnmlp-29901562314761 (READ-ONLY COPY).

The authoritative reference and input builder live on the scoring server;
editing this copy changes nothing except your own understanding.
"""

import jax, jax.numpy as jnp
import numpy as np

N = 10000
E = 320000
D_IN = 128
D_OUT = 128


def setup_inputs(seed: int = 0) -> dict:
    key = jax.random.key(seed)
    k1, k2, k3, k4 = jax.random.split(key, 4)
    features = jax.random.normal(k1, (N, D_IN), dtype=jnp.float32)
    edge_index = jax.random.randint(k2, (2, E), 0, N, dtype=jnp.int32)
    # GraphConv (DGL-style, norm='both') parameters: weight [in, out], bias [out]
    glorot = float(np.sqrt(6.0 / (D_IN + D_OUT)))
    W = jax.random.uniform(k3, (D_IN, D_OUT), dtype=jnp.float32, minval=-glorot, maxval=glorot)
    b = jnp.zeros((D_OUT,), dtype=jnp.float32)
    return {"features": features, "edge_index": edge_index, "W": W, "b": b}


def reference(features, edge_index, W, b):
    # GNNMLP with enable_gcn=True, enable_mlp=False, top_is_proj=False,
    # feat_repr_dims=[128,128]: stack = [Dropout(0.0), GraphConv(128,128)].
    # Dropout(p=0) is identity in eval/inference semantics.
    src = edge_index[0]
    dst = edge_index[1]
    # DGL GraphConv, norm='both':
    #   degs clamped to min 1; feat scaled by out_deg^-0.5 on src side,
    #   sum-aggregated to dst, scaled by in_deg^-0.5, then linear (in<=out -> aggregate first).
    deg_out = jnp.bincount(src, length=N).astype(features.dtype)
    deg_in = jnp.bincount(dst, length=N).astype(features.dtype)
    norm_src = jnp.clip(deg_out, 1.0, None) ** -0.5
    norm_dst = jnp.clip(deg_in, 1.0, None) ** -0.5
    h = features * norm_src[:, None]
    msg = jnp.take(h, src, axis=0)
    agg = jax.ops.segment_sum(msg, dst, num_segments=N)
    agg = agg * norm_dst[:, None]
    out = agg @ W + b
    return out

if __name__ == "__main__":
    import jax
    _d = setup_inputs()
    print(jax.jit(kernel)(*tuple(_d.values())))

</pallas_src>

<mosaic_0001>
#map = affine_map<(d0, d1) -> (0, 0)>
#map1 = affine_map<(d0, d1) -> (0, 0, 0, 0)>
#map2 = affine_map<(d0, d1) -> (0, 0, 0)>
module attributes {stable_mosaic.version = 14 : i64} {
  func.func @msgpass(%arg0: i32, %arg1: i32, %arg2: memref<10240x128xf32, #tpu.memory_space<hbm>>, %arg3: memref<2x32x79x128xi32, #tpu.memory_space<hbm>>, %arg4: memref<2x10240x128xf32, #tpu.memory_space<hbm>>, %arg5: memref<79x128xi32, #tpu.memory_space<vmem>>, %arg6: memref<79x128xi32, #tpu.memory_space<vmem>>, %arg7: memref<128x128xf32, #tpu.memory_space<vmem>>, %arg8: memref<10240x128xf32, #tpu.memory_space<vmem_shared>>, %arg9: memref<!tpu.dma_semaphore, #tpu.memory_space<semaphore_mem>>) attributes {dimension_semantics = [#tpu.dimension_semantics<core_parallel>, #tpu.dimension_semantics<subcore_parallel>], iteration_bounds = array<i64: 2, 16>, scalar_prefetch = 0 : i64, scratch_operands = 5 : i64, tpu.core_type = #tpu.core_type<sc_vector_subcore>, window_params = [{transform_indices = #map}, {transform_indices = #map1}, {transform_indices = #map2}]} {
    %mul3A = arith.constant 16 : i32
    %mul3A_0 = arith.muli %arg0, %mul3A : i32
    %add3A = arith.addi %mul3A_0, %arg1 : i32
    %broadcast_in_dim3A = arith.constant 0.000000e+00 : f32
    %broadcast_in_dim3A_1 = vector.broadcast %broadcast_in_dim3A : f32 to vector<16xf32>
    %run_scoped3A = arith.constant 0 : i32
    "tpu.region"() ({
      %run_scoped3A_41 = tpu.sem_alloc : memref<!tpu.dma_semaphore, #tpu.memory_space<semaphore_mem>>
      %dma_start3A = arith.constant 0 : i32
      %dma_start3A_42 = arith.constant 0 : i32
      %dma_start3A_43 = tpu.memref_slice %arg3[%run_scoped3A, %add3A, %dma_start3A, %dma_start3A_42] : memref<2x32x79x128xi32, #tpu.memory_space<hbm>> -> memref<1x1x79x128xi32, #tpu.memory_space<hbm>>
      %dma_start3A_44 = tpu.memref_squeeze %dma_start3A_43 : memref<1x1x79x128xi32, #tpu.memory_space<hbm>> -> memref<79x128xi32, #tpu.memory_space<hbm>>
      %dma_start3A_45 = arith.constant 0 : i32
      %dma_start3A_46 = arith.constant 0 : i32
      %dma_start3A_47 = tpu.memref_slice %arg3[%run_scoped3A, %add3A, %dma_start3A_45, %dma_start3A_46] : memref<2x32x79x128xi32, #tpu.memory_space<hbm>> -> memref<1x1x79x128xi32, #tpu.memory_space<hbm>>
      %dma_start3A_48 = tpu.memref_squeeze %dma_start3A_47 : memref<1x1x79x128xi32, #tpu.memory_space<hbm>> -> memref<79x128xi32, #tpu.memory_space<hbm>>
      tpu.enqueue_dma source(%dma_start3A_48 : memref<79x128xi32, #tpu.memory_space<hbm>>) target(%arg5 : memref<79x128xi32, #tpu.memory_space<vmem>>) target_semaphore(%run_scoped3A_41 : memref<!tpu.dma_semaphore, #tpu.memory_space<semaphore_mem>>)
      %dma_wait3A = arith.constant 0 : i32
      %dma_wait3A_49 = arith.constant 0 : i32
      %dma_wait3A_50 = tpu.memref_slice %arg3[%run_scoped3A, %add3A, %dma_wait3A, %dma_wait3A_49] : memref<2x32x79x128xi32, #tpu.memory_space<hbm>> -> memref<1x1x79x128xi32, #tpu.memory_space<hbm>>
      %dma_wait3A_51 = tpu.memref_squeeze %dma_wait3A_50 : memref<1x1x79x128xi32, #tpu.memory_space<hbm>> -> memref<79x128xi32, #tpu.memory_space<hbm>>
      %dma_wait3A_52 = arith.constant 0 : i32
      %dma_wait3A_53 = arith.constant 0 : i32
      %dma_wait3A_54 = tpu.memref_slice %arg3[%run_scoped3A, %add3A, %dma_wait3A_52, %dma_wait3A_53] : memref<2x32x79x128xi32, #tpu.memory_space<hbm>> -> memref<1x1x79x128xi32, #tpu.memory_space<hbm>>
      %dma_wait3A_55 = tpu.memref_squeeze %dma_wait3A_54 : memref<1x1x79x128xi32, #tpu.memory_space<hbm>> -> memref<79x128xi32, #tpu.memory_space<hbm>>
      tpu.wait_dma2 semaphore(%run_scoped3A_41 : memref<!tpu.dma_semaphore, #tpu.memory_space<semaphore_mem>>) src(%dma_wait3A_55 : memref<79x128xi32, #tpu.memory_space<hbm>>) dst(%arg5 : memref<79x128xi32, #tpu.memory_space<vmem>>)
      tpu.yield
    }) : () -> ()
    %run_scoped3A_2 = arith.constant 1 : i32
    "tpu.region"() ({
      %run_scoped3A_41 = tpu.sem_alloc : memref<!tpu.dma_semaphore, #tpu.memory_space<semaphore_mem>>
      %dma_start3A = arith.constant 0 : i32
      %dma_start3A_42 = arith.constant 0 : i32
      %dma_start3A_43 = tpu.memref_slice %arg3[%run_scoped3A_2, %add3A, %dma_start3A, %dma_start3A_42] : memref<2x32x79x128xi32, #tpu.memory_space<hbm>> -> memref<1x1x79x128xi32, #tpu.memory_space<hbm>>
      %dma_start3A_44 = tpu.memref_squeeze %dma_start3A_43 : memref<1x1x79x128xi32, #tpu.memory_space<hbm>> -> memref<79x128xi32, #tpu.memory_space<hbm>>
      %dma_start3A_45 = arith.constant 0 : i32
      %dma_start3A_46 = arith.constant 0 : i32
      %dma_start3A_47 = tpu.memref_slice %arg3[%run_scoped3A_2, %add3A, %dma_start3A_45, %dma_start3A_46] : memref<2x32x79x128xi32, #tpu.memory_space<hbm>> -> memref<1x1x79x128xi32, #tpu.memory_space<hbm>>
      %dma_start3A_48 = tpu.memref_squeeze %dma_start3A_47 : memref<1x1x79x128xi32, #tpu.memory_space<hbm>> -> memref<79x128xi32, #tpu.memory_space<hbm>>
      tpu.enqueue_dma source(%dma_start3A_48 : memref<79x128xi32, #tpu.memory_space<hbm>>) target(%arg6 : memref<79x128xi32, #tpu.memory_space<vmem>>) target_semaphore(%run_scoped3A_41 : memref<!tpu.dma_semaphore, #tpu.memory_space<semaphore_mem>>)
      %dma_wait3A = arith.constant 0 : i32
      %dma_wait3A_49 = arith.constant 0 : i32
      %dma_wait3A_50 = tpu.memref_slice %arg3[%run_scoped3A_2, %add3A, %dma_wait3A, %dma_wait3A_49] : memref<2x32x79x128xi32, #tpu.memory_space<hbm>> -> memref<1x1x79x128xi32, #tpu.memory_space<hbm>>
      %dma_wait3A_51 = tpu.memref_squeeze %dma_wait3A_50 : memref<1x1x79x128xi32, #tpu.memory_space<hbm>> -> memref<79x128xi32, #tpu.memory_space<hbm>>
      %dma_wait3A_52 = arith.constant 0 : i32
      %dma_wait3A_53 = arith.constant 0 : i32
      %dma_wait3A_54 = tpu.memref_slice %arg3[%run_scoped3A_2, %add3A, %dma_wait3A_52, %dma_wait3A_53] : memref<2x32x79x128xi32, #tpu.memory_space<hbm>> -> memref<1x1x79x128xi32, #tpu.memory_space<hbm>>
      %dma_wait3A_55 = tpu.memref_squeeze %dma_wait3A_54 : memref<1x1x79x128xi32, #tpu.memory_space<hbm>> -> memref<79x128xi32, #tpu.memory_space<hbm>>
      tpu.wait_dma2 semaphore(%run_scoped3A_41 : memref<!tpu.dma_semaphore, #tpu.memory_space<semaphore_mem>>) src(%dma_wait3A_55 : memref<79x128xi32, #tpu.memory_space<hbm>>) dst(%arg6 : memref<79x128xi32, #tpu.memory_space<vmem>>)
      tpu.yield
    }) : () -> ()
    %scan3A = arith.constant 0 : i32
    %scan3A_3 = arith.constant 0 : i32
    %scan3A_4 = arith.constant 128 : i32
    %scan3A_5 = arith.addi %scan3A_3, %scan3A_4 : i32
    %scan3A_6 = arith.constant 1 : i32
    %scan3A_7 = scf.for %scan3A_41 = %scan3A_3 to %scan3A_5 step %scan3A_6 iter_args(%scan3A_42 = %scan3A) -> (i32)  : i32 {
      %swap3A = arith.index_cast %scan3A_41 : i32 to index
      %swap3A_43 = arith.constant 0 : index
      %swap3A_44 = tpu.vector_load %arg7[%swap3A, %swap3A_43] {strides = array<i32>} : memref<128x128xf32, #tpu.memory_space<vmem>>, vector<1x16xf32>,
      %swap3A_45 = vector.shape_cast %swap3A_44 : vector<1x16xf32> to vector<16xf32>
      %swap3A_46 = vector.shape_cast %broadcast_in_dim3A_1 : vector<16xf32> to vector<1x16xf32>
      tpu.vector_store %arg7[%swap3A, %swap3A_43], %swap3A_46 {strides = array<i32>} : memref<128x128xf32, #tpu.memory_space<vmem>>, vector<1x16xf32>,
      %swap3A_47 = arith.index_cast %scan3A_41 : i32 to index
      %swap3A_48 = arith.constant 16 : index
      %swap3A_49 = tpu.vector_load %arg7[%swap3A_47, %swap3A_48] {strides = array<i32>} : memref<128x128xf32, #tpu.memory_space<vmem>>, vector<1x16xf32>,
      %swap3A_50 = vector.shape_cast %swap3A_49 : vector<1x16xf32> to vector<16xf32>
      %swap3A_51 = vector.shape_cast %broadcast_in_dim3A_1 : vector<16xf32> to vector<1x16xf32>
      tpu.vector_store %arg7[%swap3A_47, %swap3A_48], %swap3A_51 {strides = array<i32>} : memref<128x128xf32, #tpu.memory_space<vmem>>, vector<1x16xf32>,
      %swap3A_52 = arith.index_cast %scan3A_41 : i32 to index
      %swap3A_53 = arith.constant 32 : index
      %swap3A_54 = tpu.vector_load %arg7[%swap3A_52, %swap3A_53] {strides = array<i32>} : memref<128x128xf32, #tpu.memory_space<vmem>>, vector<1x16xf32>,
      %swap3A_55 = vector.shape_cast %swap3A_54 : vector<1x16xf32> to vector<16xf32>
      %swap3A_56 = vector.shape_cast %broadcast_in_dim3A_1 : vector<16xf32> to vector<1x16xf32>
      tpu.vector_store %arg7[%swap3A_52, %swap3A_53], %swap3A_56 {strides = array<i32>} : memref<128x128xf32, #tpu.memory_space<vmem>>, vector<1x16xf32>,
      %swap3A_57 = arith.index_cast %scan3A_41 : i32 to index
      %swap3A_58 = arith.constant 48 : index
      %swap3A_59 = tpu.vector_load %arg7[%swap3A_57, %swap3A_58] {strides = array<i32>} : memref<128x128xf32, #tpu.memory_space<vmem>>, vector<1x16xf32>,
      %swap3A_60 = vector.shape_cast %swap3A_59 : vector<1x16xf32> to vector<16xf32>
      %swap3A_61 = vector.shape_cast %broadcast_in_dim3A_1 : vector<16xf32> to vector<1x16xf32>
      tpu.vector_store %arg7[%swap3A_57, %swap3A_58], %swap3A_61 {strides = array<i32>} : memref<128x128xf32, #tpu.memory_space<vmem>>, vector<1x16xf32>,
      %swap3A_62 = arith.index_cast %scan3A_41 : i32 to index
      %swap3A_63 = arith.constant 64 : index
      %swap3A_64 = tpu.vector_load %arg7[%swap3A_62, %swap3A_63] {strides = array<i32>} : memref<128x128xf32, #tpu.memory_space<vmem>>, vector<1x16xf32>,
      %swap3A_65 = vector.shape_cast %swap3A_64 : vector<1x16xf32> to vector<16xf32>
      %swap3A_66 = vector.shape_cast %broadcast_in_dim3A_1 : vector<16xf32> to vector<1x16xf32>
      tpu.vector_store %arg7[%swap3A_62, %swap3A_63], %swap3A_66 {strides = array<i32>} : memref<128x128xf32, #tpu.memory_space<vmem>>, vector<1x16xf32>,
      %swap3A_67 = arith.index_cast %scan3A_41 : i32 to index
      %swap3A_68 = arith.constant 80 : index
      %swap3A_69 = tpu.vector_load %arg7[%swap3A_67, %swap3A_68] {strides = array<i32>} : memref<128x128xf32, #tpu.memory_space<vmem>>, vector<1x16xf32>,
      %swap3A_70 = vector.shape_cast %swap3A_69 : vector<1x16xf32> to vector<16xf32>
      %swap3A_71 = vector.shape_cast %broadcast_in_dim3A_1 : vector<16xf32> to vector<1x16xf32>
      tpu.vector_store %arg7[%swap3A_67, %swap3A_68], %swap3A_71 {strides = array<i32>} : memref<128x128xf32, #tpu.memory_space<vmem>>, vector<1x16xf32>,
      %swap3A_72 = arith.index_cast %scan3A_41 : i32 to index
      %swap3A_73 = arith.constant 96 : index
      %swap3A_74 = tpu.vector_load %arg7[%swap3A_72, %swap3A_73] {strides = array<i32>} : memref<128x128xf32, #tpu.memory_space<vmem>>, vector<1x16xf32>,
      %swap3A_75 = vector.shape_cast %swap3A_74 : vector<1x16xf32> to vector<16xf32>
      %swap3A_76 = vector.shape_cast %broadcast_in_dim3A_1 : vector<16xf32> to vector<1x16xf32>
      tpu.vector_store %arg7[%swap3A_72, %swap3A_73], %swap3A_76 {strides = array<i32>} : memref<128x128xf32, #tpu.memory_space<vmem>>, vector<1x16xf32>,
      %swap3A_77 = arith.index_cast %scan3A_41 : i32 to index
      %swap3A_78 = arith.constant 112 : index
      %swap3A_79 = tpu.vector_load %arg7[%swap3A_77, %swap3A_78] {strides = array<i32>} : memref<128x128xf32, #tpu.memory_space<vmem>>, vector<1x16xf32>,
      %swap3A_80 = vector.shape_cast %swap3A_79 : vector<1x16xf32> to vector<16xf32>
      %swap3A_81 = vector.shape_cast %broadcast_in_dim3A_1 : vector<16xf32> to vector<1x16xf32>
      tpu.vector_store %arg7[%swap3A_77, %swap3A_78], %swap3A_81 {strides = array<i32>} : memref<128x128xf32, #tpu.memory_space<vmem>>, vector<1x16xf32>,
      %scan3A_82 = arith.constant 0 : i32
      scf.yield %scan3A_82 : i32
    }
    %scan3A_8 = arith.constant 128 : i32
    %mul3A_9 = arith.constant 640 : i32
    %mul3A_10 = arith.muli %arg1, %mul3A_9 : i32
    %add3A_11 = arith.constant 0 : i32
    %add3A_12 = arith.addi %mul3A_10, %add3A_11 : i32
    "tpu.region"() ({
      %run_scoped3A_41 = tpu.sem_alloc : memref<!tpu.dma_semaphore, #tpu.memory_space<semaphore_mem>>
      %dma_start3A = arith.constant 0 : i32
      %dma_start3A_42 = tpu.memref_slice %arg8[%add3A_12, %dma_start3A] : memref<10240x128xf32, #tpu.memory_space<vmem_shared>> -> memref<128x128xf32, #tpu.memory_space<vmem_shared>>
      %dma_start3A_43 = arith.constant 0 : i32
      %dma_start3A_44 = tpu.memref_slice %arg8[%add3A_12, %dma_start3A_43] : memref<10240x128xf32, #tpu.memory_space<vmem_shared>> -> memref<128x128xf32, #tpu.memory_space<vmem_shared>>
      tpu.enqueue_dma source(%arg7 : memref<128x128xf32, #tpu.memory_space<vmem>>) target(%dma_start3A_44 : memref<128x128xf32, #tpu.memory_space<vmem_shared>>) target_semaphore(%run_scoped3A_41 : memref<!tpu.dma_semaphore, #tpu.memory_space<semaphore_mem>>)
      %dma_wait3A = arith.constant 0 : i32
      %dma_wait3A_45 = tpu.memref_slice %arg8[%add3A_12, %dma_wait3A] : memref<10240x128xf32, #tpu.memory_space<vmem_shared>> -> memref<128x128xf32, #tpu.memory_space<vmem_shared>>
      %dma_wait3A_46 = arith.constant 0 : i32
      %dma_wait3A_47 = tpu.memref_slice %arg8[%add3A_12, %dma_wait3A_46] : memref<10240x128xf32, #tpu.memory_space<vmem_shared>> -> memref<128x128xf32, #tpu.memory_space<vmem_shared>>
      tpu.wait_dma2 semaphore(%run_scoped3A_41 : memref<!tpu.dma_semaphore, #tpu.memory_space<semaphore_mem>>) src(%arg7 : memref<128x128xf32, #tpu.memory_space<vmem>>) dst(%dma_wait3A_47 : memref<128x128xf32, #tpu.memory_space<vmem_shared>>)
      tpu.yield
    }) : () -> ()
    %mul3A_13 = arith.constant 640 : i32
    %mul3A_14 = arith.muli %arg1, %mul3A_13 : i32
    %add3A_15 = arith.constant 128 : i32
    %add3A_16 = arith.addi %mul3A_14, %add3A_15 : i32
    "tpu.region"() ({
      %run_scoped3A_41 = tpu.sem_alloc : memref<!tpu.dma_semaphore, #tpu.memory_space<semaphore_mem>>
      %dma_start3A = arith.constant 0 : i32
      %dma_start3A_42 = tpu.memref_slice %arg8[%add3A_16, %dma_start3A] : memref<10240x128xf32, #tpu.memory_space<vmem_shared>> -> memref<128x128xf32, #tpu.memory_space<vmem_shared>>
      %dma_start3A_43 = arith.constant 0 : i32
      %dma_start3A_44 = tpu.memref_slice %arg8[%add3A_16, %dma_start3A_43] : memref<10240x128xf32, #tpu.memory_space<vmem_shared>> -> memref<128x128xf32, #tpu.memory_space<vmem_shared>>
      tpu.enqueue_dma source(%arg7 : memref<128x128xf32, #tpu.memory_space<vmem>>) target(%dma_start3A_44 : memref<128x128xf32, #tpu.memory_space<vmem_shared>>) target_semaphore(%run_scoped3A_41 : memref<!tpu.dma_semaphore, #tpu.memory_space<semaphore_mem>>)
      %dma_wait3A = arith.constant 0 : i32
      %dma_wait3A_45 = tpu.memref_slice %arg8[%add3A_16, %dma_wait3A] : memref<10240x128xf32, #tpu.memory_space<vmem_shared>> -> memref<128x128xf32, #tpu.memory_space<vmem_shared>>
      %dma_wait3A_46 = arith.constant 0 : i32
      %dma_wait3A_47 = tpu.memref_slice %arg8[%add3A_16, %dma_wait3A_46] : memref<10240x128xf32, #tpu.memory_space<vmem_shared>> -> memref<128x128xf32, #tpu.memory_space<vmem_shared>>
      tpu.wait_dma2 semaphore(%run_scoped3A_41 : memref<!tpu.dma_semaphore, #tpu.memory_space<semaphore_mem>>) src(%arg7 : memref<128x128xf32, #tpu.memory_space<vmem>>) dst(%dma_wait3A_47 : memref<128x128xf32, #tpu.memory_space<vmem_shared>>)
      tpu.yield
    }) : () -> ()
    %mul3A_17 = arith.constant 640 : i32
    %mul3A_18 = arith.muli %arg1, %mul3A_17 : i32
    %add3A_19 = arith.constant 256 : i32
    %add3A_20 = arith.addi %mul3A_18, %add3A_19 : i32
    "tpu.region"() ({
      %run_scoped3A_41 = tpu.sem_alloc : memref<!tpu.dma_semaphore, #tpu.memory_space<semaphore_mem>>
      %dma_start3A = arith.constant 0 : i32
      %dma_start3A_42 = tpu.memref_slice %arg8[%add3A_20, %dma_start3A] : memref<10240x128xf32, #tpu.memory_space<vmem_shared>> -> memref<128x128xf32, #tpu.memory_space<vmem_shared>>
      %dma_start3A_43 = arith.constant 0 : i32
      %dma_start3A_44 = tpu.memref_slice %arg8[%add3A_20, %dma_start3A_43] : memref<10240x128xf32, #tpu.memory_space<vmem_shared>> -> memref<128x128xf32, #tpu.memory_space<vmem_shared>>
      tpu.enqueue_dma source(%arg7 : memref<128x128xf32, #tpu.memory_space<vmem>>) target(%dma_start3A_44 : memref<128x128xf32, #tpu.memory_space<vmem_shared>>) target_semaphore(%run_scoped3A_41 : memref<!tpu.dma_semaphore, #tpu.memory_space<semaphore_mem>>)
      %dma_wait3A = arith.constant 0 : i32
      %dma_wait3A_45 = tpu.memref_slice %arg8[%add3A_20, %dma_wait3A] : memref<10240x128xf32, #tpu.memory_space<vmem_shared>> -> memref<128x128xf32, #tpu.memory_space<vmem_shared>>
      %dma_wait3A_46 = arith.constant 0 : i32
      %dma_wait3A_47 = tpu.memref_slice %arg8[%add3A_20, %dma_wait3A_46] : memref<10240x128xf32, #tpu.memory_space<vmem_shared>> -> memref<128x128xf32, #tpu.memory_space<vmem_shared>>
      tpu.wait_dma2 semaphore(%run_scoped3A_41 : memref<!tpu.dma_semaphore, #tpu.memory_space<semaphore_mem>>) src(%arg7 : memref<128x128xf32, #tpu.memory_space<vmem>>) dst(%dma_wait3A_47 : memref<128x128xf32, #tpu.memory_space<vmem_shared>>)
      tpu.yield
    }) : () -> ()
    %mul3A_21 = arith.constant 640 : i32
    %mul3A_22 = arith.muli %arg1, %mul3A_21 : i32
    %add3A_23 = arith.constant 384 : i32
    %add3A_24 = arith.addi %mul3A_22, %add3A_23 : i32
    "tpu.region"() ({
      %run_scoped3A_41 = tpu.sem_alloc : memref<!tpu.dma_semaphore, #tpu.memory_space<semaphore_mem>>
      %dma_start3A = arith.constant 0 : i32
      %dma_start3A_42 = tpu.memref_slice %arg8[%add3A_24, %dma_start3A] : memref<10240x128xf32, #tpu.memory_space<vmem_shared>> -> memref<128x128xf32, #tpu.memory_space<vmem_shared>>
      %dma_start3A_43 = arith.constant 0 : i32
      %dma_start3A_44 = tpu.memref_slice %arg8[%add3A_24, %dma_start3A_43] : memref<10240x128xf32, #tpu.memory_space<vmem_shared>> -> memref<128x128xf32, #tpu.memory_space<vmem_shared>>
      tpu.enqueue_dma source(%arg7 : memref<128x128xf32, #tpu.memory_space<vmem>>) target(%dma_start3A_44 : memref<128x128xf32, #tpu.memory_space<vmem_shared>>) target_semaphore(%run_scoped3A_41 : memref<!tpu.dma_semaphore, #tpu.memory_space<semaphore_mem>>)
      %dma_wait3A = arith.constant 0 : i32
      %dma_wait3A_45 = tpu.memref_slice %arg8[%add3A_24, %dma_wait3A] : memref<10240x128xf32, #tpu.memory_space<vmem_shared>> -> memref<128x128xf32, #tpu.memory_space<vmem_shared>>
      %dma_wait3A_46 = arith.constant 0 : i32
      %dma_wait3A_47 = tpu.memref_slice %arg8[%add3A_24, %dma_wait3A_46] : memref<10240x128xf32, #tpu.memory_space<vmem_shared>> -> memref<128x128xf32, #tpu.memory_space<vmem_shared>>
      tpu.wait_dma2 semaphore(%run_scoped3A_41 : memref<!tpu.dma_semaphore, #tpu.memory_space<semaphore_mem>>) src(%arg7 : memref<128x128xf32, #tpu.memory_space<vmem>>) dst(%dma_wait3A_47 : memref<128x128xf32, #tpu.memory_space<vmem_shared>>)
      tpu.yield
    }) : () -> ()
    %mul3A_25 = arith.constant 640 : i32
    %mul3A_26 = arith.muli %arg1, %mul3A_25 : i32
    %add3A_27 = arith.constant 512 : i32
    %add3A_28 = arith.addi %mul3A_26, %add3A_27 : i32
    "tpu.region"() ({
      %run_scoped3A_41 = tpu.sem_alloc : memref<!tpu.dma_semaphore, #tpu.memory_space<semaphore_mem>>
      %dma_start3A = arith.constant 0 : i32
      %dma_start3A_42 = tpu.memref_slice %arg8[%add3A_28, %dma_start3A] : memref<10240x128xf32, #tpu.memory_space<vmem_shared>> -> memref<128x128xf32, #tpu.memory_space<vmem_shared>>
      %dma_start3A_43 = arith.constant 0 : i32
      %dma_start3A_44 = tpu.memref_slice %arg8[%add3A_28, %dma_start3A_43] : memref<10240x128xf32, #tpu.memory_space<vmem_shared>> -> memref<128x128xf32, #tpu.memory_space<vmem_shared>>
      tpu.enqueue_dma source(%arg7 : memref<128x128xf32, #tpu.memory_space<vmem>>) target(%dma_start3A_44 : memref<128x128xf32, #tpu.memory_space<vmem_shared>>) target_semaphore(%run_scoped3A_41 : memref<!tpu.dma_semaphore, #tpu.memory_space<semaphore_mem>>)
      %dma_wait3A = arith.constant 0 : i32
      %dma_wait3A_45 = tpu.memref_slice %arg8[%add3A_28, %dma_wait3A] : memref<10240x128xf32, #tpu.memory_space<vmem_shared>> -> memref<128x128xf32, #tpu.memory_space<vmem_shared>>
      %dma_wait3A_46 = arith.constant 0 : i32
      %dma_wait3A_47 = tpu.memref_slice %arg8[%add3A_28, %dma_wait3A_46] : memref<10240x128xf32, #tpu.memory_space<vmem_shared>> -> memref<128x128xf32, #tpu.memory_space<vmem_shared>>
      tpu.wait_dma2 semaphore(%run_scoped3A_41 : memref<!tpu.dma_semaphore, #tpu.memory_space<semaphore_mem>>) src(%arg7 : memref<128x128xf32, #tpu.memory_space<vmem>>) dst(%dma_wait3A_47 : memref<128x128xf32, #tpu.memory_space<vmem_shared>>)
      tpu.yield
    }) : () -> ()
    %barrier3A = arith.constant 0 : index
    tpu.barrier barrier_id(%barrier3A)
    %scan3A_29 = arith.constant 0 : i32
    %scan3A_30 = arith.constant 0 : i32
    %scan3A_31 = arith.constant 79 : i32
    %scan3A_32 = arith.addi %scan3A_30, %scan3A_31 : i32
    %scan3A_33 = arith.constant 1 : i32
    %scan3A_34 = scf.for %scan3A_41 = %scan3A_30 to %scan3A_32 step %scan3A_33 iter_args(%scan3A_42 = %scan3A_29) -> (i32)  : i32 {
      %dma_start3A = arith.constant 0 : i32
      %dma_start3A_43 = tpu.memref_slice %arg5[%scan3A_41, %dma_start3A] : memref<79x128xi32, #tpu.memory_space<vmem>> -> memref<1x128xi32, #tpu.memory_space<vmem>>
      %dma_start3A_44 = tpu.memref_squeeze %dma_start3A_43 : memref<1x128xi32, #tpu.memory_space<vmem>> -> memref<128xi32, #tpu.memory_space<vmem>>
      %dma_start3A_45 = arith.constant 0 : i32
      %dma_start3A_46 = arith.constant 0 : i32
      %dma_start3A_47 = tpu.memref_slice %arg2[%dma_start3A_45, %dma_start3A_46] : memref<10240x128xf32, #tpu.memory_space<hbm>> -> memref<10240x128xf32, #tpu.memory_space<hbm>>
      tpu.enqueue_indirect_dma source(%dma_start3A_47 : memref<10240x128xf32, #tpu.memory_space<hbm>>) target(%arg7 : memref<128x128xf32, #tpu.memory_space<vmem>>) offsets(%dma_start3A_44 : memref<128xi32, #tpu.memory_space<vmem>>) semaphore(%arg9 : memref<!tpu.dma_semaphore, #tpu.memory_space<semaphore_mem>>)
      %dma_wait3A = arith.constant 0 : i32
      %dma_wait3A_48 = tpu.memref_slice %arg5[%scan3A_41, %dma_wait3A] : memref<79x128xi32, #tpu.memory_space<vmem>> -> memref<1x128xi32, #tpu.memory_space<vmem>>
      %dma_wait3A_49 = tpu.memref_squeeze %dma_wait3A_48 : memref<1x128xi32, #tpu.memory_space<vmem>> -> memref<128xi32, #tpu.memory_space<vmem>>
      %dma_wait3A_50 = arith.constant 0 : i32
      %dma_wait3A_51 = arith.constant 0 : i32
      %dma_wait3A_52 = tpu.memref_slice %arg2[%dma_wait3A_50, %dma_wait3A_51] : memref<10240x128xf32, #tpu.memory_space<hbm>> -> memref<10240x128xf32, #tpu.memory_space<hbm>>
      tpu.wait_indirect_dma semaphore(%arg9 : memref<!tpu.dma_semaphore, #tpu.memory_space<semaphore_mem>>) src(%dma_wait3A_52 : memref<10240x128xf32, #tpu.memory_space<hbm>>) dst(%arg7 : memref<128x128xf32, #tpu.memory_space<vmem>>)
      "tpu.region"() ({
        %run_scoped3A_54 = tpu.sem_alloc : memref<!tpu.dma_semaphore, #tpu.memory_space<semaphore_mem>>
        %dma_start3A_55 = arith.constant 0 : i32
        %dma_start3A_56 = tpu.memref_slice %arg6[%scan3A_41, %dma_start3A_55] : memref<79x128xi32, #tpu.memory_space<vmem>> -> memref<1x128xi32, #tpu.memory_space<vmem>>
        %dma_start3A_57 = tpu.memref_squeeze %dma_start3A_56 : memref<1x128xi32, #tpu.memory_space<vmem>> -> memref<128xi32, #tpu.memory_space<vmem>>
        %dma_start3A_58 = arith.constant 0 : i32
        %dma_start3A_59 = arith.constant 0 : i32
        %dma_start3A_60 = tpu.memref_slice %arg8[%dma_start3A_58, %dma_start3A_59] : memref<10240x128xf32, #tpu.memory_space<vmem_shared>> -> memref<10240x128xf32, #tpu.memory_space<vmem_shared>>
        tpu.enqueue_indirect_dma source(%arg7 : memref<128x128xf32, #tpu.memory_space<vmem>>) target(%dma_start3A_60 : memref<10240x128xf32, #tpu.memory_space<vmem_shared>>) offsets(%dma_start3A_57 : memref<128xi32, #tpu.memory_space<vmem>>) semaphore(%run_scoped3A_54 : memref<!tpu.dma_semaphore, #tpu.memory_space<semaphore_mem>>) {add = true}
        %dma_wait3A_61 = arith.constant 0 : i32
        %dma_wait3A_62 = tpu.memref_slice %arg6[%scan3A_41, %dma_wait3A_61] : memref<79x128xi32, #tpu.memory_space<vmem>> -> memref<1x128xi32, #tpu.memory_space<vmem>>
        %dma_wait3A_63 = tpu.memref_squeeze %dma_wait3A_62 : memref<1x128xi32, #tpu.memory_space<vmem>> -> memref<128xi32, #tpu.memory_space<vmem>>
        %dma_wait3A_64 = arith.constant 0 : i32
        %dma_wait3A_65 = arith.constant 0 : i32
        %dma_wait3A_66 = tpu.memref_slice %arg8[%dma_wait3A_64, %dma_wait3A_65] : memref<10240x128xf32, #tpu.memory_space<vmem_shared>> -> memref<10240x128xf32, #tpu.memory_space<vmem_shared>>
        tpu.wait_indirect_dma semaphore(%run_scoped3A_54 : memref<!tpu.dma_semaphore, #tpu.memory_space<semaphore_mem>>) src(%arg7 : memref<128x128xf32, #tpu.memory_space<vmem>>) dst(%dma_wait3A_66 : memref<10240x128xf32, #tpu.memory_space<vmem_shared>>)
        tpu.yield
      }) : () -> ()
      %scan3A_53 = arith.constant 0 : i32
      scf.yield %scan3A_53 : i32
    }
    %scan3A_35 = arith.constant 79 : i32
    %barrier3A_36 = arith.constant 0 : index
    tpu.barrier barrier_id(%barrier3A_36)
    %mul3A_37 = arith.constant 640 : i32
    %mul3A_38 = arith.muli %arg1, %mul3A_37 : i32
    %mul3A_39 = arith.constant 640 : i32
    %mul3A_40 = arith.muli %arg1, %mul3A_39 : i32
    "tpu.region"() ({
      %run_scoped3A_41 = tpu.sem_alloc : memref<!tpu.dma_semaphore, #tpu.memory_space<semaphore_mem>>
      %dma_start3A = arith.constant 0 : i32
      %dma_start3A_42 = tpu.memref_slice %arg4[%arg0, %mul3A_40, %dma_start3A] : memref<2x10240x128xf32, #tpu.memory_space<hbm>> -> memref<1x640x128xf32, #tpu.memory_space<hbm>>
      %dma_start3A_43 = tpu.memref_squeeze %dma_start3A_42 : memref<1x640x128xf32, #tpu.memory_space<hbm>> -> memref<640x128xf32, #tpu.memory_space<hbm>>
      %dma_start3A_44 = arith.constant 0 : i32
      %dma_start3A_45 = tpu.memref_slice %arg8[%mul3A_38, %dma_start3A_44] : memref<10240x128xf32, #tpu.memory_space<vmem_shared>> -> memref<640x128xf32, #tpu.memory_space<vmem_shared>>
      tpu.enqueue_dma source(%dma_start3A_45 : memref<640x128xf32, #tpu.memory_space<vmem_shared>>) target(%dma_start3A_43 : memref<640x128xf32, #tpu.memory_space<hbm>>) target_semaphore(%run_scoped3A_41 : memref<!tpu.dma_semaphore, #tpu.memory_space<semaphore_mem>>)
      %dma_wait3A = arith.constant 0 : i32
      %dma_wait3A_46 = tpu.memref_slice %arg4[%arg0, %mul3A_40, %dma_wait3A] : memref<2x10240x128xf32, #tpu.memory_space<hbm>> -> memref<1x640x128xf32, #tpu.memory_space<hbm>>
      %dma_wait3A_47 = tpu.memref_squeeze %dma_wait3A_46 : memref<1x640x128xf32, #tpu.memory_space<hbm>> -> memref<640x128xf32, #tpu.memory_space<hbm>>
      %dma_wait3A_48 = arith.constant 0 : i32
      %dma_wait3A_49 = tpu.memref_slice %arg8[%mul3A_38, %dma_wait3A_48] : memref<10240x128xf32, #tpu.memory_space<vmem_shared>> -> memref<640x128xf32, #tpu.memory_space<vmem_shared>>
      tpu.wait_dma2 semaphore(%run_scoped3A_41 : memref<!tpu.dma_semaphore, #tpu.memory_space<semaphore_mem>>) src(%dma_wait3A_49 : memref<640x128xf32, #tpu.memory_space<vmem_shared>>) dst(%dma_wait3A_47 : memref<640x128xf32, #tpu.memory_space<hbm>>)
      tpu.yield
    }) : () -> ()
    return
  }
}

#map = affine_map<(d0, d1) -> (0, 0, 0, 0)>
#map1 = affine_map<(d0, d1) -> (0, 0)>
module attributes {stable_mosaic.version = 14 : i64} {
  func.func @bincount(%arg0: i32, %arg1: i32, %arg2: memref<2x32x79x128xi32, #tpu.memory_space<hbm>>, %arg3: memref<2x10240xf32, #tpu.memory_space<hbm>>, %arg4: memref<79x128xi32, #tpu.memory_space<vmem>>, %arg5: memref<10240xf32, #tpu.memory_space<vmem>>, %arg6: memref<16x640xf32, #tpu.memory_space<vmem>>, %arg7: memref<640xf32, #tpu.memory_space<vmem>>, %arg8: memref<16x10240xf32, #tpu.memory_space<vmem_shared>>) attributes {dimension_semantics = [#tpu.dimension_semantics<core_parallel>, #tpu.dimension_semantics<subcore_parallel>], iteration_bounds = array<i64: 2, 16>, scalar_prefetch = 0 : i64, scratch_operands = 5 : i64, tpu.core_type = #tpu.core_type<sc_vector_subcore>, window_params = [{transform_indices = #map}, {transform_indices = #map1}]} {
    %broadcast_in_dim3A = arith.constant 0.000000e+00 : f32
    %broadcast_in_dim3A_0 = vector.broadcast %broadcast_in_dim3A : f32 to vector<16xf32>
    %broadcast_in_dim3A_1 = arith.constant 1.000000e+00 : f32
    %broadcast_in_dim3A_2 = vector.broadcast %broadcast_in_dim3A_1 : f32 to vector<16xf32>
    %scan3A = arith.constant 0 : i32
    %scan3A_3 = arith.constant 0 : i32
    %scan3A_4 = arith.constant 640 : i32
    %scan3A_5 = arith.addi %scan3A_3, %scan3A_4 : i32
    %scan3A_6 = arith.constant 1 : i32
    %scan3A_7 = scf.for %scan3A_101 = %scan3A_3 to %scan3A_5 step %scan3A_6 iter_args(%scan3A_102 = %scan3A) -> (i32)  : i32 {
      %mul3A_103 = arith.constant 16 : i32
      %mul3A_104 = arith.muli %scan3A_101, %mul3A_103 : i32
      %swap3A = arith.index_cast %mul3A_104 : i32 to index
      %swap3A_105 = tpu.vector_load %arg5[%swap3A] {strides = array<i32>} : memref<10240xf32, #tpu.memory_space<vmem>>, vector<16xf32>,
      tpu.vector_store %arg5[%swap3A], %broadcast_in_dim3A_0 {strides = array<i32>} : memref<10240xf32, #tpu.memory_space<vmem>>, vector<16xf32>,
      %scan3A_106 = arith.constant 0 : i32
      scf.yield %scan3A_106 : i32
    }
    %scan3A_8 = arith.constant 640 : i32
    %mul3A = arith.constant 2 : i32
    %mul3A_9 = arith.muli %arg1, %mul3A : i32
    %add3A = arith.constant 0 : i32
    %add3A_10 = arith.addi %mul3A_9, %add3A : i32
    "tpu.region"() ({
      %run_scoped3A_101 = tpu.sem_alloc : memref<!tpu.dma_semaphore, #tpu.memory_space<semaphore_mem>>
      %dma_start3A = arith.constant 0 : i32
      %dma_start3A_102 = arith.constant 0 : i32
      %dma_start3A_103 = tpu.memref_slice %arg2[%arg0, %add3A_10, %dma_start3A, %dma_start3A_102] : memref<2x32x79x128xi32, #tpu.memory_space<hbm>> -> memref<1x1x79x128xi32, #tpu.memory_space<hbm>>
      %dma_start3A_104 = tpu.memref_squeeze %dma_start3A_103 : memref<1x1x79x128xi32, #tpu.memory_space<hbm>> -> memref<79x128xi32, #tpu.memory_space<hbm>>
      %dma_start3A_105 = arith.constant 0 : i32
      %dma_start3A_106 = arith.constant 0 : i32
      %dma_start3A_107 = tpu.memref_slice %arg2[%arg0, %add3A_10, %dma_start3A_105, %dma_start3A_106] : memref<2x32x79x128xi32, #tpu.memory_space<hbm>> -> memref<1x1x79x128xi32, #tpu.memory_space<hbm>>
      %dma_start3A_108 = tpu.memref_squeeze %dma_start3A_107 : memref<1x1x79x128xi32, #tpu.memory_space<hbm>> -> memref<79x128xi32, #tpu.memory_space<hbm>>
      tpu.enqueue_dma source(%dma_start3A_108 : memref<79x128xi32, #tpu.memory_space<hbm>>) target(%arg4 : memref<79x128xi32, #tpu.memory_space<vmem>>) target_semaphore(%run_scoped3A_101 : memref<!tpu.dma_semaphore, #tpu.memory_space<semaphore_mem>>)
      %dma_wait3A = arith.constant 0 : i32
      %dma_wait3A_109 = arith.constant 0 : i32
      %dma_wait3A_110 = tpu.memref_slice %arg2[%arg0, %add3A_10, %dma_wait3A, %dma_wait3A_109] : memref<2x32x79x128xi32, #tpu.memory_space<hbm>> -> memref<1x1x79x128xi32, #tpu.memory_space<hbm>>
      %dma_wait3A_111 = tpu.memref_squeeze %dma_wait3A_110 : memref<1x1x79x128xi32, #tpu.memory_space<hbm>> -> memref<79x128xi32, #tpu.memory_space<hbm>>
      %dma_wait3A_112 = arith.constant 0 : i32
      %dma_wait3A_113 = arith.constant 0 : i32
      %dma_wait3A_114 = tpu.memref_slice %arg2[%arg0, %add3A_10, %dma_wait3A_112, %dma_wait3A_113] : memref<2x32x79x128xi32, #tpu.memory_space<hbm>> -> memref<1x1x79x128xi32, #tpu.memory_space<hbm>>
      %dma_wait3A_115 = tpu.memref_squeeze %dma_wait3A_114 : memref<1x1x79x128xi32, #tpu.memory_space<hbm>> -> memref<79x128xi32, #tpu.memory_space<hbm>>
      tpu.wait_dma2 semaphore(%run_scoped3A_101 : memref<!tpu.dma_semaphore, #tpu.memory_space<semaphore_mem>>) src(%dma_wait3A_115 : memref<79x128xi32, #tpu.memory_space<hbm>>) dst(%arg4 : memref<79x128xi32, #tpu.memory_space<vmem>>)
      tpu.yield
    }) : () -> ()
    %scan3A_11 = arith.constant 0 : i32
    %scan3A_12 = arith.constant 0 : i32
    %scan3A_13 = arith.constant 79 : i32
    %scan3A_14 = arith.addi %scan3A_12, %scan3A_13 : i32
    %scan3A_15 = arith.constant 1 : i32
    %scan3A_16 = scf.for %scan3A_101 = %scan3A_12 to %scan3A_14 step %scan3A_15 iter_args(%scan3A_102 = %scan3A_11) -> (i32)  : i32 {
      %get3A = arith.index_cast %scan3A_101 : i32 to index
      %get3A_103 = arith.constant 0 : index
      %get3A_104 = tpu.vector_load %arg4[%get3A, %get3A_103] {strides = array<i32>} : memref<79x128xi32, #tpu.memory_space<vmem>>, vector<16xi32>,
      tpu.vector_store_idx %arg5[%get3A_104], %broadcast_in_dim3A_2 {add = true} : memref<10240xf32, #tpu.memory_space<vmem>>[vector<16xi32>], vector<16xf32>,
      %get3A_105 = arith.index_cast %scan3A_101 : i32 to index
      %get3A_106 = arith.constant 16 : index
      %get3A_107 = tpu.vector_load %arg4[%get3A_105, %get3A_106] {strides = array<i32>} : memref<79x128xi32, #tpu.memory_space<vmem>>, vector<16xi32>,
      tpu.vector_store_idx %arg5[%get3A_107], %broadcast_in_dim3A_2 {add = true} : memref<10240xf32, #tpu.memory_space<vmem>>[vector<16xi32>], vector<16xf32>,
      %get3A_108 = arith.index_cast %scan3A_101 : i32 to index
      %get3A_109 = arith.constant 32 : index
      %get3A_110 = tpu.vector_load %arg4[%get3A_108, %get3A_109] {strides = array<i32>} : memref<79x128xi32, #tpu.memory_space<vmem>>, vector<16xi32>,
      tpu.vector_store_idx %arg5[%get3A_110], %broadcast_in_dim3A_2 {add = true} : memref<10240xf32, #tpu.memory_space<vmem>>[vector<16xi32>], vector<16xf32>,
      %get3A_111 = arith.index_cast %scan3A_101 : i32 to index
      %get3A_112 = arith.constant 48 : index
      %get3A_113 = tpu.vector_load %arg4[%get3A_111, %get3A_112] {strides = array<i32>} : memref<79x128xi32, #tpu.memory_space<vmem>>, vector<16xi32>,
      tpu.vector_store_idx %arg5[%get3A_113], %broadcast_in_dim3A_2 {add = true} : memref<10240xf32, #tpu.memory_space<vmem>>[vector<16xi32>], vector<16xf32>,
      %get3A_114 = arith.index_cast %scan3A_101 : i32 to index
      %get3A_115 = arith.constant 64 : index
      %get3A_116 = tpu.vector_load %arg4[%get3A_114, %get3A_115] {strides = array<i32>} : memref<79x128xi32, #tpu.memory_space<vmem>>, vector<16xi32>,
      tpu.vector_store_idx %arg5[%get3A_116], %broadcast_in_dim3A_2 {add = true} : memref<10240xf32, #tpu.memory_space<vmem>>[vector<16xi32>], vector<16xf32>,
      %get3A_117 = arith.index_cast %scan3A_101 : i32 to index
      %get3A_118 = arith.constant 80 : index
      %get3A_119 = tpu.vector_load %arg4[%get3A_117, %get3A_118] {strides = array<i32>} : memref<79x128xi32, #tpu.memory_space<vmem>>, vector<16xi32>,
      tpu.vector_store_idx %arg5[%get3A_119], %broadcast_in_dim3A_2 {add = true} : memref<10240xf32, #tpu.memory_space<vmem>>[vector<16xi32>], vector<16xf32>,
      %get3A_120 = arith.index_cast %scan3A_101 : i32 to index
      %get3A_121 = arith.constant 96 : index
      %get3A_122 = tpu.vector_load %arg4[%get3A_120, %get3A_121] {strides = array<i32>} : memref<79x128xi32, #tpu.memory_space<vmem>>, vector<16xi32>,
      tpu.vector_store_idx %arg5[%get3A_122], %broadcast_in_dim3A_2 {add = true} : memref<10240xf32, #tpu.memory_space<vmem>>[vector<16xi32>], vector<16xf32>,
      %get3A_123 = arith.index_cast %scan3A_101 : i32 to index
      %get3A_124 = arith.constant 112 : index
      %get3A_125 = tpu.vector_load %arg4[%get3A_123, %get3A_124] {strides = array<i32>} : memref<79x128xi32, #tpu.memory_space<vmem>>, vector<16xi32>,
      tpu.vector_store_idx %arg5[%get3A_125], %broadcast_in_dim3A_2 {add = true} : memref<10240xf32, #tpu.memory_space<vmem>>[vector<16xi32>], vector<16xf32>,
      %scan3A_126 = arith.constant 0 : i32
      scf.yield %scan3A_126 : i32
    }
    %scan3A_17 = arith.constant 79 : i32
    %mul3A_18 = arith.constant 2 : i32
    %mul3A_19 = arith.muli %arg1, %mul3A_18 : i32
    %add3A_20 = arith.constant 1 : i32
    %add3A_21 = arith.addi %mul3A_19, %add3A_20 : i32
    "tpu.region"() ({
      %run_scoped3A_101 = tpu.sem_alloc : memref<!tpu.dma_semaphore, #tpu.memory_space<semaphore_mem>>
      %dma_start3A = arith.constant 0 : i32
      %dma_start3A_102 = arith.constant 0 : i32
      %dma_start3A_103 = tpu.memref_slice %arg2[%arg0, %add3A_21, %dma_start3A, %dma_start3A_102] : memref<2x32x79x128xi32, #tpu.memory_space<hbm>> -> memref<1x1x79x128xi32, #tpu.memory_space<hbm>>
      %dma_start3A_104 = tpu.memref_squeeze %dma_start3A_103 : memref<1x1x79x128xi32, #tpu.memory_space<hbm>> -> memref<79x128xi32, #tpu.memory_space<hbm>>
      %dma_start3A_105 = arith.constant 0 : i32
      %dma_start3A_106 = arith.constant 0 : i32
      %dma_start3A_107 = tpu.memref_slice %arg2[%arg0, %add3A_21, %dma_start3A_105, %dma_start3A_106] : memref<2x32x79x128xi32, #tpu.memory_space<hbm>> -> memref<1x1x79x128xi32, #tpu.memory_space<hbm>>
      %dma_start3A_108 = tpu.memref_squeeze %dma_start3A_107 : memref<1x1x79x128xi32, #tpu.memory_space<hbm>> -> memref<79x128xi32, #tpu.memory_space<hbm>>
      tpu.enqueue_dma source(%dma_start3A_108 : memref<79x128xi32, #tpu.memory_space<hbm>>) target(%arg4 : memref<79x128xi32, #tpu.memory_space<vmem>>) target_semaphore(%run_scoped3A_101 : memref<!tpu.dma_semaphore, #tpu.memory_space<semaphore_mem>>)
      %dma_wait3A = arith.constant 0 : i32
      %dma_wait3A_109 = arith.constant 0 : i32
      %dma_wait3A_110 = tpu.memref_slice %arg2[%arg0, %add3A_21, %dma_wait3A, %dma_wait3A_109] : memref<2x32x79x128xi32, #tpu.memory_space<hbm>> -> memref<1x1x79x128xi32, #tpu.memory_space<hbm>>
      %dma_wait3A_111 = tpu.memref_squeeze %dma_wait3A_110 : memref<1x1x79x128xi32, #tpu.memory_space<hbm>> -> memref<79x128xi32, #tpu.memory_space<hbm>>
      %dma_wait3A_112 = arith.constant 0 : i32
      %dma_wait3A_113 = arith.constant 0 : i32
      %dma_wait3A_114 = tpu.memref_slice %arg2[%arg0, %add3A_21, %dma_wait3A_112, %dma_wait3A_113] : memref<2x32x79x128xi32, #tpu.memory_space<hbm>> -> memref<1x1x79x128xi32, #tpu.memory_space<hbm>>
      %dma_wait3A_115 = tpu.memref_squeeze %dma_wait3A_114 : memref<1x1x79x128xi32, #tpu.memory_space<hbm>> -> memref<79x128xi32, #tpu.memory_space<hbm>>
      tpu.wait_dma2 semaphore(%run_scoped3A_101 : memref<!tpu.dma_semaphore, #tpu.memory_space<semaphore_mem>>) src(%dma_wait3A_115 : memref<79x128xi32, #tpu.memory_space<hbm>>) dst(%arg4 : memref<79x128xi32, #tpu.memory_space<vmem>>)
      tpu.yield
    }) : () -> ()
    %scan3A_22 = arith.constant 0 : i32
    %scan3A_23 = arith.constant 0 : i32
    %scan3A_24 = arith.constant 79 : i32
    %scan3A_25 = arith.addi %scan3A_23, %scan3A_24 : i32
    %scan3A_26 = arith.constant 1 : i32
    %scan3A_27 = scf.for %scan3A_101 = %scan3A_23 to %scan3A_25 step %scan3A_26 iter_args(%scan3A_102 = %scan3A_22) -> (i32)  : i32 {
      %get3A = arith.index_cast %scan3A_101 : i32 to index
      %get3A_103 = arith.constant 0 : index
      %get3A_104 = tpu.vector_load %arg4[%get3A, %get3A_103] {strides = array<i32>} : memref<79x128xi32, #tpu.memory_space<vmem>>, vector<16xi32>,
      tpu.vector_store_idx %arg5[%get3A_104], %broadcast_in_dim3A_2 {add = true} : memref<10240xf32, #tpu.memory_space<vmem>>[vector<16xi32>], vector<16xf32>,
      %get3A_105 = arith.index_cast %scan3A_101 : i32 to index
      %get3A_106 = arith.constant 16 : index
      %get3A_107 = tpu.vector_load %arg4[%get3A_105, %get3A_106] {strides = array<i32>} : memref<79x128xi32, #tpu.memory_space<vmem>>, vector<16xi32>,
      tpu.vector_store_idx %arg5[%get3A_107], %broadcast_in_dim3A_2 {add = true} : memref<10240xf32, #tpu.memory_space<vmem>>[vector<16xi32>], vector<16xf32>,
      %get3A_108 = arith.index_cast %scan3A_101 : i32 to index
      %get3A_109 = arith.constant 32 : index
      %get3A_110 = tpu.vector_load %arg4[%get3A_108, %get3A_109] {strides = array<i32>} : memref<79x128xi32, #tpu.memory_space<vmem>>, vector<16xi32>,
      tpu.vector_store_idx %arg5[%get3A_110], %broadcast_in_dim3A_2 {add = true} : memref<10240xf32, #tpu.memory_space<vmem>>[vector<16xi32>], vector<16xf32>,
      %get3A_111 = arith.index_cast %scan3A_101 : i32 to index
      %get3A_112 = arith.constant 48 : index
      %get3A_113 = tpu.vector_load %arg4[%get3A_111, %get3A_112] {strides = array<i32>} : memref<79x128xi32, #tpu.memory_space<vmem>>, vector<16xi32>,
      tpu.vector_store_idx %arg5[%get3A_113], %broadcast_in_dim3A_2 {add = true} : memref<10240xf32, #tpu.memory_space<vmem>>[vector<16xi32>], vector<16xf32>,
      %get3A_114 = arith.index_cast %scan3A_101 : i32 to index
      %get3A_115 = arith.constant 64 : index
      %get3A_116 = tpu.vector_load %arg4[%get3A_114, %get3A_115] {strides = array<i32>} : memref<79x128xi32, #tpu.memory_space<vmem>>, vector<16xi32>,
      tpu.vector_store_idx %arg5[%get3A_116], %broadcast_in_dim3A_2 {add = true} : memref<10240xf32, #tpu.memory_space<vmem>>[vector<16xi32>], vector<16xf32>,
      %get3A_117 = arith.index_cast %scan3A_101 : i32 to index
      %get3A_118 = arith.constant 80 : index
      %get3A_119 = tpu.vector_load %arg4[%get3A_117, %get3A_118] {strides = array<i32>} : memref<79x128xi32, #tpu.memory_space<vmem>>, vector<16xi32>,
      tpu.vector_store_idx %arg5[%get3A_119], %broadcast_in_dim3A_2 {add = true} : memref<10240xf32, #tpu.memory_space<vmem>>[vector<16xi32>], vector<16xf32>,
      %get3A_120 = arith.index_cast %scan3A_101 : i32 to index
      %get3A_121 = arith.constant 96 : index
      %get3A_122 = tpu.vector_load %arg4[%get3A_120, %get3A_121] {strides = array<i32>} : memref<79x128xi32, #tpu.memory_space<vmem>>, vector<16xi32>,
      tpu.vector_store_idx %arg5[%get3A_122], %broadcast_in_dim3A_2 {add = true} : memref<10240xf32, #tpu.memory_space<vmem>>[vector<16xi32>], vector<16xf32>,
      %get3A_123 = arith.index_cast %scan3A_101 : i32 to index
      %get3A_124 = arith.constant 112 : index
      %get3A_125 = tpu.vector_load %arg4[%get3A_123, %get3A_124] {strides = array<i32>} : memref<79x128xi32, #tpu.memory_space<vmem>>, vector<16xi32>,
      tpu.vector_store_idx %arg5[%get3A_125], %broadcast_in_dim3A_2 {add = true} : memref<10240xf32, #tpu.memory_space<vmem>>[vector<16xi32>], vector<16xf32>,
      %scan3A_126 = arith.constant 0 : i32
      scf.yield %scan3A_126 : i32
    }
    %scan3A_28 = arith.constant 79 : i32
    "tpu.region"() ({
      %run_scoped3A_101 = tpu.sem_alloc : memref<!tpu.dma_semaphore, #tpu.memory_space<semaphore_mem>>
      %dma_start3A = arith.constant 0 : i32
      %dma_start3A_102 = tpu.memref_slice %arg8[%arg1, %dma_start3A] : memref<16x10240xf32, #tpu.memory_space<vmem_shared>> -> memref<1x10240xf32, #tpu.memory_space<vmem_shared>>
      %dma_start3A_103 = tpu.memref_squeeze %dma_start3A_102 : memref<1x10240xf32, #tpu.memory_space<vmem_shared>> -> memref<10240xf32, #tpu.memory_space<vmem_shared>>
      %dma_start3A_104 = arith.constant 0 : i32
      %dma_start3A_105 = tpu.memref_slice %arg8[%arg1, %dma_start3A_104] : memref<16x10240xf32, #tpu.memory_space<vmem_shared>> -> memref<1x10240xf32, #tpu.memory_space<vmem_shared>>
      %dma_start3A_106 = tpu.memref_squeeze %dma_start3A_105 : memref<1x10240xf32, #tpu.memory_space<vmem_shared>> -> memref<10240xf32, #tpu.memory_space<vmem_shared>>
      tpu.enqueue_dma source(%arg5 : memref<10240xf32, #tpu.memory_space<vmem>>) target(%dma_start3A_106 : memref<10240xf32, #tpu.memory_space<vmem_shared>>) target_semaphore(%run_scoped3A_101 : memref<!tpu.dma_semaphore, #tpu.memory_space<semaphore_mem>>)
      %dma_wait3A = arith.constant 0 : i32
      %dma_wait3A_107 = tpu.memref_slice %arg8[%arg1, %dma_wait3A] : memref<16x10240xf32, #tpu.memory_space<vmem_shared>> -> memref<1x10240xf32, #tpu.memory_space<vmem_shared>>
      %dma_wait3A_108 = tpu.memref_squeeze %dma_wait3A_107 : memref<1x10240xf32, #tpu.memory_space<vmem_shared>> -> memref<10240xf32, #tpu.memory_space<vmem_shared>>
      %dma_wait3A_109 = arith.constant 0 : i32
      %dma_wait3A_110 = tpu.memref_slice %arg8[%arg1, %dma_wait3A_109] : memref<16x10240xf32, #tpu.memory_space<vmem_shared>> -> memref<1x10240xf32, #tpu.memory_space<vmem_shared>>
      %dma_wait3A_111 = tpu.memref_squeeze %dma_wait3A_110 : memref<1x10240xf32, #tpu.memory_space<vmem_shared>> -> memref<10240xf32, #tpu.memory_space<vmem_shared>>
      tpu.wait_dma2 semaphore(%run_scoped3A_101 : memref<!tpu.dma_semaphore, #tpu.memory_space<semaphore_mem>>) src(%arg5 : memref<10240xf32, #tpu.memory_space<vmem>>) dst(%dma_wait3A_111 : memref<10240xf32, #tpu.memory_space<vmem_shared>>)
      tpu.yield
    }) : () -> ()
    %barrier3A = arith.constant 0 : index
    tpu.barrier barrier_id(%barrier3A)
    %mul3A_29 = arith.constant 640 : i32
    %mul3A_30 = arith.muli %arg1, %mul3A_29 : i32
    %run_scoped3A = arith.constant 0 : i32
    %run_scoped3A_31 = arith.constant 0 : i32
    "tpu.region"() ({
      %run_scoped3A_101 = tpu.sem_alloc : memref<!tpu.dma_semaphore, #tpu.memory_space<semaphore_mem>>
      %dma_start3A = arith.constant 0 : i32
      %dma_start3A_102 = tpu.memref_slice %arg6[%run_scoped3A_31, %dma_start3A] : memref<16x640xf32, #tpu.memory_space<vmem>> -> memref<1x640xf32, #tpu.memory_space<vmem>>
      %dma_start3A_103 = tpu.memref_squeeze %dma_start3A_102 : memref<1x640xf32, #tpu.memory_space<vmem>> -> memref<640xf32, #tpu.memory_space<vmem>>
      %dma_start3A_104 = tpu.memref_slice %arg8[%run_scoped3A, %mul3A_30] : memref<16x10240xf32, #tpu.memory_space<vmem_shared>> -> memref<1x640xf32, #tpu.memory_space<vmem_shared>>
      %dma_start3A_105 = tpu.memref_squeeze %dma_start3A_104 : memref<1x640xf32, #tpu.memory_space<vmem_shared>> -> memref<640xf32, #tpu.memory_space<vmem_shared>>
      %dma_start3A_106 = arith.constant 0 : i32
      %dma_start3A_107 = tpu.memref_slice %arg6[%run_scoped3A_31, %dma_start3A_106] : memref<16x640xf32, #tpu.memory_space<vmem>> -> memref<1x640xf32, #tpu.memory_space<vmem>>
      %dma_start3A_108 = tpu.memref_squeeze %dma_start3A_107 : memref<1x640xf32, #tpu.memory_space<vmem>> -> memref<640xf32, #tpu.memory_space<vmem>>
      %dma_start3A_109 = tpu.memref_slice %arg8[%run_scoped3A, %mul3A_30] : memref<16x10240xf32, #tpu.memory_space<vmem_shared>> -> memref<1x640xf32, #tpu.memory_space<vmem_shared>>
      %dma_start3A_110 = tpu.memref_squeeze %dma_start3A_109 : memref<1x640xf32, #tpu.memory_space<vmem_shared>> -> memref<640xf32, #tpu.memory_space<vmem_shared>>
      tpu.enqueue_dma source(%dma_start3A_110 : memref<640xf32, #tpu.memory_space<vmem_shared>>) target(%dma_start3A_108 : memref<640xf32, #tpu.memory_space<vmem>>) target_semaphore(%run_scoped3A_101 : memref<!tpu.dma_semaphore, #tpu.memory_space<semaphore_mem>>)
      %dma_wait3A = arith.constant 0 : i32
      %dma_wait3A_111 = tpu.memref_slice %arg6[%run_scoped3A_31, %dma_wait3A] : memref<16x640xf32, #tpu.memory_space<vmem>> -> memref<1x640xf32, #tpu.memory_space<vmem>>
      %dma_wait3A_112 = tpu.memref_squeeze %dma_wait3A_111 : memref<1x640xf32, #tpu.memory_space<vmem>> -> memref<640xf32, #tpu.memory_space<vmem>>
      %dma_wait3A_113 = tpu.memref_slice %arg8[%run_scoped3A, %mul3A_30] : memref<16x10240xf32, #tpu.memory_space<vmem_shared>> -> memref<1x640xf32, #tpu.memory_space<vmem_shared>>
      %dma_wait3A_114 = tpu.memref_squeeze %dma_wait3A_113 : memref<1x640xf32, #tpu.memory_space<vmem_shared>> -> memref<640xf32, #tpu.memory_space<vmem_shared>>
      %dma_wait3A_115 = arith.constant 0 : i32
      %dma_wait3A_116 = tpu.memref_slice %arg6[%run_scoped3A_31, %dma_wait3A_115] : memref<16x640xf32, #tpu.memory_space<vmem>> -> memref<1x640xf32, #tpu.memory_space<vmem>>
      %dma_wait3A_117 = tpu.memref_squeeze %dma_wait3A_116 : memref<1x640xf32, #tpu.memory_space<vmem>> -> memref<640xf32, #tpu.memory_space<vmem>>
      %dma_wait3A_118 = tpu.memref_slice %arg8[%run_scoped3A, %mul3A_30] : memref<16x10240xf32, #tpu.memory_space<vmem_shared>> -> memref<1x640xf32, #tpu.memory_space<vmem_shared>>
      %dma_wait3A_119 = tpu.memref_squeeze %dma_wait3A_118 : memref<1x640xf32, #tpu.memory_space<vmem_shared>> -> memref<640xf32, #tpu.memory_space<vmem_shared>>
      tpu.wait_dma2 semaphore(%run_scoped3A_101 : memref<!tpu.dma_semaphore, #tpu.memory_space<semaphore_mem>>) src(%dma_wait3A_119 : memref<640xf32, #tpu.memory_space<vmem_shared>>) dst(%dma_wait3A_117 : memref<640xf32, #tpu.memory_space<vmem>>)
      tpu.yield
    }) : () -> ()
    %mul3A_32 = arith.constant 640 : i32
    %mul3A_33 = arith.muli %arg1, %mul3A_32 : i32
    %run_scoped3A_34 = arith.constant 1 : i32
    %run_scoped3A_35 = arith.constant 1 : i32
    "tpu.region"() ({
      %run_scoped3A_101 = tpu.sem_alloc : memref<!tpu.dma_semaphore, #tpu.memory_space<semaphore_mem>>
      %dma_start3A = arith.constant 0 : i32
      %dma_start3A_102 = tpu.memref_slice %arg6[%run_scoped3A_35, %dma_start3A] : memref<16x640xf32, #tpu.memory_space<vmem>> -> memref<1x640xf32, #tpu.memory_space<vmem>>
      %dma_start3A_103 = tpu.memref_squeeze %dma_start3A_102 : memref<1x640xf32, #tpu.memory_space<vmem>> -> memref<640xf32, #tpu.memory_space<vmem>>
      %dma_start3A_104 = tpu.memref_slice %arg8[%run_scoped3A_34, %mul3A_33] : memref<16x10240xf32, #tpu.memory_space<vmem_shared>> -> memref<1x640xf32, #tpu.memory_space<vmem_shared>>
      %dma_start3A_105 = tpu.memref_squeeze %dma_start3A_104 : memref<1x640xf32, #tpu.memory_space<vmem_shared>> -> memref<640xf32, #tpu.memory_space<vmem_shared>>
      %dma_start3A_106 = arith.constant 0 : i32
      %dma_start3A_107 = tpu.memref_slice %arg6[%run_scoped3A_35, %dma_start3A_106] : memref<16x640xf32, #tpu.memory_space<vmem>> -> memref<1x640xf32, #tpu.memory_space<vmem>>
      %dma_start3A_108 = tpu.memref_squeeze %dma_start3A_107 : memref<1x640xf32, #tpu.memory_space<vmem>> -> memref<640xf32, #tpu.memory_space<vmem>>
      %dma_start3A_109 = tpu.memref_slice %arg8[%run_scoped3A_34, %mul3A_33] : memref<16x10240xf32, #tpu.memory_space<vmem_shared>> -> memref<1x640xf32, #tpu.memory_space<vmem_shared>>
      %dma_start3A_110 = tpu.memref_squeeze %dma_start3A_109 : memref<1x640xf32, #tpu.memory_space<vmem_shared>> -> memref<640xf32, #tpu.memory_space<vmem_shared>>
      tpu.enqueue_dma source(%dma_start3A_110 : memref<640xf32, #tpu.memory_space<vmem_shared>>) target(%dma_start3A_108 : memref<640xf32, #tpu.memory_space<vmem>>) target_semaphore(%run_scoped3A_101 : memref<!tpu.dma_semaphore, #tpu.memory_space<semaphore_mem>>)
      %dma_wait3A = arith.constant 0 : i32
      %dma_wait3A_111 = tpu.memref_slice %arg6[%run_scoped3A_35, %dma_wait3A] : memref<16x640xf32, #tpu.memory_space<vmem>> -> memref<1x640xf32, #tpu.memory_space<vmem>>
      %dma_wait3A_112 = tpu.memref_squeeze %dma_wait3A_111 : memref<1x640xf32, #tpu.memory_space<vmem>> -> memref<640xf32, #tpu.memory_space<vmem>>
      %dma_wait3A_113 = tpu.memref_slice %arg8[%run_scoped3A_34, %mul3A_33] : memref<16x10240xf32, #tpu.memory_space<vmem_shared>> -> memref<1x640xf32, #tpu.memory_space<vmem_shared>>
      %dma_wait3A_114 = tpu.memref_squeeze %dma_wait3A_113 : memref<1x640xf32, #tpu.memory_space<vmem_shared>> -> memref<640xf32, #tpu.memory_space<vmem_shared>>
      %dma_wait3A_115 = arith.constant 0 : i32
      %dma_wait3A_116 = tpu.memref_slice %arg6[%run_scoped3A_35, %dma_wait3A_115] : memref<16x640xf32, #tpu.memory_space<vmem>> -> memref<1x640xf32, #tpu.memory_space<vmem>>
      %dma_wait3A_117 = tpu.memref_squeeze %dma_wait3A_116 : memref<1x640xf32, #tpu.memory_space<vmem>> -> memref<640xf32, #tpu.memory_space<vmem>>
      %dma_wait3A_118 = tpu.memref_slice %arg8[%run_scoped3A_34, %mul3A_33] : memref<16x10240xf32, #tpu.memory_space<vmem_shared>> -> memref<1x640xf32, #tpu.memory_space<vmem_shared>>
      %dma_wait3A_119 = tpu.memref_squeeze %dma_wait3A_118 : memref<1x640xf32, #tpu.memory_space<vmem_shared>> -> memref<640xf32, #tpu.memory_space<vmem_shared>>
      tpu.wait_dma2 semaphore(%run_scoped3A_101 : memref<!tpu.dma_semaphore, #tpu.memory_space<semaphore_mem>>) src(%dma_wait3A_119 : memref<640xf32, #tpu.memory_space<vmem_shared>>) dst(%dma_wait3A_117 : memref<640xf32, #tpu.memory_space<vmem>>)
      tpu.yield
    }) : () -> ()
    %mul3A_36 = arith.constant 640 : i32
    %mul3A_37 = arith.muli %arg1, %mul3A_36 : i32
    %run_scoped3A_38 = arith.constant 2 : i32
    %run_scoped3A_39 = arith.constant 2 : i32
    "tpu.region"() ({
      %run_scoped3A_101 = tpu.sem_alloc : memref<!tpu.dma_semaphore, #tpu.memory_space<semaphore_mem>>
      %dma_start3A = arith.constant 0 : i32
      %dma_start3A_102 = tpu.memref_slice %arg6[%run_scoped3A_39, %dma_start3A] : memref<16x640xf32, #tpu.memory_space<vmem>> -> memref<1x640xf32, #tpu.memory_space<vmem>>
      %dma_start3A_103 = tpu.memref_squeeze %dma_start3A_102 : memref<1x640xf32, #tpu.memory_space<vmem>> -> memref<640xf32, #tpu.memory_space<vmem>>
      %dma_start3A_104 = tpu.memref_slice %arg8[%run_scoped3A_38, %mul3A_37] : memref<16x10240xf32, #tpu.memory_space<vmem_shared>> -> memref<1x640xf32, #tpu.memory_space<vmem_shared>>
      %dma_start3A_105 = tpu.memref_squeeze %dma_start3A_104 : memref<1x640xf32, #tpu.memory_space<vmem_shared>> -> memref<640xf32, #tpu.memory_space<vmem_shared>>
      %dma_start3A_106 = arith.constant 0 : i32
      %dma_start3A_107 = tpu.memref_slice %arg6[%run_scoped3A_39, %dma_start3A_106] : memref<16x640xf32, #tpu.memory_space<vmem>> -> memref<1x640xf32, #tpu.memory_space<vmem>>
      %dma_start3A_108 = tpu.memref_squeeze %dma_start3A_107 : memref<1x640xf32, #tpu.memory_space<vmem>> -> memref<640xf32, #tpu.memory_space<vmem>>
      %dma_start3A_109 = tpu.memref_slice %arg8[%run_scoped3A_38, %mul3A_37] : memref<16x10240xf32, #tpu.memory_space<vmem_shared>> -> memref<1x640xf32, #tpu.memory_space<vmem_shared>>
      %dma_start3A_110 = tpu.memref_squeeze %dma_start3A_109 : memref<1x640xf32, #tpu.memory_space<vmem_shared>> -> memref<640xf32, #tpu.memory_space<vmem_shared>>
      tpu.enqueue_dma source(%dma_start3A_110 : memref<640xf32, #tpu.memory_space<vmem_shared>>) target(%dma_start3A_108 : memref<640xf32, #tpu.memory_space<vmem>>) target_semaphore(%run_scoped3A_101 : memref<!tpu.dma_semaphore, #tpu.memory_space<semaphore_mem>>)
      %dma_wait3A = arith.constant 0 : i32
      %dma_wait3A_111 = tpu.memref_slice %arg6[%run_scoped3A_39, %dma_wait3A] : memref<16x640xf32, #tpu.memory_space<vmem>> -> memref<1x640xf32, #tpu.memory_space<vmem>>
      %dma_wait3A_112 = tpu.memref_squeeze %dma_wait3A_111 : memref<1x640xf32, #tpu.memory_space<vmem>> -> memref<640xf32, #tpu.memory_space<vmem>>
      %dma_wait3A_113 = tpu.memref_slice %arg8[%run_scoped3A_38, %mul3A_37] : memref<16x10240xf32, #tpu.memory_space<vmem_shared>> -> memref<1x640xf32, #tpu.memory_space<vmem_shared>>
      %dma_wait3A_114 = tpu.memref_squeeze %dma_wait3A_113 : memref<1x640xf32, #tpu.memory_space<vmem_shared>> -> memref<640xf32, #tpu.memory_space<vmem_shared>>
      %dma_wait3A_115 = arith.constant 0 : i32
      %dma_wait3A_116 = tpu.memref_slice %arg6[%run_scoped3A_39, %dma_wait3A_115] : memref<16x640xf32, #tpu.memory_space<vmem>> -> memref<1x640xf32, #tpu.memory_space<vmem>>
      %dma_wait3A_117 = tpu.memref_squeeze %dma_wait3A_116 : memref<1x640xf32, #tpu.memory_space<vmem>> -> memref<640xf32, #tpu.memory_space<vmem>>
      %dma_wait3A_118 = tpu.memref_slice %arg8[%run_scoped3A_38, %mul3A_37] : memref<16x10240xf32, #tpu.memory_space<vmem_shared>> -> memref<1x640xf32, #tpu.memory_space<vmem_shared>>
      %dma_wait3A_119 = tpu.memref_squeeze %dma_wait3A_118 : memref<1x640xf32, #tpu.memory_space<vmem_shared>> -> memref<640xf32, #tpu.memory_space<vmem_shared>>
      tpu.wait_dma2 semaphore(%run_scoped3A_101 : memref<!tpu.dma_semaphore, #tpu.memory_space<semaphore_mem>>) src(%dma_wait3A_119 : memref<640xf32, #tpu.memory_space<vmem_shared>>) dst(%dma_wait3A_117 : memref<640xf32, #tpu.memory_space<vmem>>)
      tpu.yield
    }) : () -> ()
    %mul3A_40 = arith.constant 640 : i32
    %mul3A_41 = arith.muli %arg1, %mul3A_40 : i32
    %run_scoped3A_42 = arith.constant 3 : i32
    %run_scoped3A_43 = arith.constant 3 : i32
    "tpu.region"() ({
      %run_scoped3A_101 = tpu.sem_alloc : memref<!tpu.dma_semaphore, #tpu.memory_space<semaphore_mem>>
      %dma_start3A = arith.constant 0 : i32
      %dma_start3A_102 = tpu.memref_slice %arg6[%run_scoped3A_43, %dma_start3A] : memref<16x640xf32, #tpu.memory_space<vmem>> -> memref<1x640xf32, #tpu.memory_space<vmem>>
      %dma_start3A_103 = tpu.memref_squeeze %dma_start3A_102 : memref<1x640xf32, #tpu.memory_space<vmem>> -> memref<640xf32, #tpu.memory_space<vmem>>
      %dma_start3A_104 = tpu.memref_slice %arg8[%run_scoped3A_42, %mul3A_41] : memref<16x10240xf32, #tpu.memory_space<vmem_shared>> -> memref<1x640xf32, #tpu.memory_space<vmem_shared>>
      %dma_start3A_105 = tpu.memref_squeeze %dma_start3A_104 : memref<1x640xf32, #tpu.memory_space<vmem_shared>> -> memref<640xf32, #tpu.memory_space<vmem_shared>>
      %dma_start3A_106 = arith.constant 0 : i32
      %dma_start3A_107 = tpu.memref_slice %arg6[%run_scoped3A_43, %dma_start3A_106] : memref<16x640xf32, #tpu.memory_space<vmem>> -> memref<1x640xf32, #tpu.memory_space<vmem>>
      %dma_start3A_108 = tpu.memref_squeeze %dma_start3A_107 : memref<1x640xf32, #tpu.memory_space<vmem>> -> memref<640xf32, #tpu.memory_space<vmem>>
      %dma_start3A_109 = tpu.memref_slice %arg8[%run_scoped3A_42, %mul3A_41] : memref<16x10240xf32, #tpu.memory_space<vmem_shared>> -> memref<1x640xf32, #tpu.memory_space<vmem_shared>>
      %dma_start3A_110 = tpu.memref_squeeze %dma_start3A_109 : memref<1x640xf32, #tpu.memory_space<vmem_shared>> -> memref<640xf32, #tpu.memory_space<vmem_shared>>
      tpu.enqueue_dma source(%dma_start3A_110 : memref<640xf32, #tpu.memory_space<vmem_shared>>) target(%dma_start3A_108 : memref<640xf32, #tpu.memory_space<vmem>>) target_semaphore(%run_scoped3A_101 : memref<!tpu.dma_semaphore, #tpu.memory_space<semaphore_mem>>)
      %dma_wait3A = arith.constant 0 : i32
      %dma_wait3A_111 = tpu.memref_slice %arg6[%run_scoped3A_43, %dma_wait3A] : memref<16x640xf32, #tpu.memory_space<vmem>> -> memref<1x640xf32, #tpu.memory_space<vmem>>
      %dma_wait3A_112 = tpu.memref_squeeze %dma_wait3A_111 : memref<1x640xf32, #tpu.memory_space<vmem>> -> memref<640xf32, #tpu.memory_space<vmem>>
      %dma_wait3A_113 = tpu.memref_slice %arg8[%run_scoped3A_42, %mul3A_41] : memref<16x10240xf32, #tpu.memory_space<vmem_shared>> -> memref<1x640xf32, #tpu.memory_space<vmem_shared>>
      %dma_wait3A_114 = tpu.memref_squeeze %dma_wait3A_113 : memref<1x640xf32, #tpu.memory_space<vmem_shared>> -> memref<640xf32, #tpu.memory_space<vmem_shared>>
      %dma_wait3A_115 = arith.constant 0 : i32
      %dma_wait3A_116 = tpu.memref_slice %arg6[%run_scoped3A_43, %dma_wait3A_115] : memref<16x640xf32, #tpu.memory_space<vmem>> -> memref<1x640xf32, #tpu.memory_space<vmem>>
      %dma_wait3A_117 = tpu.memref_squeeze %dma_wait3A_116 : memref<1x640xf32, #tpu.memory_space<vmem>> -> memref<640xf32, #tpu.memory_space<vmem>>
      %dma_wait3A_118 = tpu.memref_slice %arg8[%run_scoped3A_42, %mul3A_41] : memref<16x10240xf32, #tpu.memory_space<vmem_shared>> -> memref<1x640xf32, #tpu.memory_space<vmem_shared>>
      %dma_wait3A_119 = tpu.memref_squeeze %dma_wait3A_118 : memref<1x640xf32, #tpu.memory_space<vmem_shared>> -> memref<640xf32, #tpu.memory_space<vmem_shared>>
      tpu.wait_dma2 semaphore(%run_scoped3A_101 : memref<!tpu.dma_semaphore, #tpu.memory_space<semaphore_mem>>) src(%dma_wait3A_119 : memref<640xf32, #tpu.memory_space<vmem_shared>>) dst(%dma_wait3A_117 : memref<640xf32, #tpu.memory_space<vmem>>)
      tpu.yield
    }) : () -> ()
    %mul3A_44 = arith.constant 640 : i32
    %mul3A_45 = arith.muli %arg1, %mul3A_44 : i32
    %run_scoped3A_46 = arith.constant 4 : i32
    %run_scoped3A_47 = arith.constant 4 : i32
    "tpu.region"() ({
      %run_scoped3A_101 = tpu.sem_alloc : memref<!tpu.dma_semaphore, #tpu.memory_space<semaphore_mem>>
      %dma_start3A = arith.constant 0 : i32
      %dma_start3A_102 = tpu.memref_slice %arg6[%run_scoped3A_47, %dma_start3A] : memref<16x640xf32, #tpu.memory_space<vmem>> -> memref<1x640xf32, #tpu.memory_space<vmem>>
      %dma_start3A_103 = tpu.memref_squeeze %dma_start3A_102 : memref<1x640xf32, #tpu.memory_space<vmem>> -> memref<640xf32, #tpu.memory_space<vmem>>
      %dma_start3A_104 = tpu.memref_slice %arg8[%run_scoped3A_46, %mul3A_45] : memref<16x10240xf32, #tpu.memory_space<vmem_shared>> -> memref<1x640xf32, #tpu.memory_space<vmem_shared>>
      %dma_start3A_105 = tpu.memref_squeeze %dma_start3A_104 : memref<1x640xf32, #tpu.memory_space<vmem_shared>> -> memref<640xf32, #tpu.memory_space<vmem_shared>>
      %dma_start3A_106 = arith.constant 0 : i32
      %dma_start3A_107 = tpu.memref_slice %arg6[%run_scoped3A_47, %dma_start3A_106] : memref<16x640xf32, #tpu.memory_space<vmem>> -> memref<1x640xf32, #tpu.memory_space<vmem>>
      %dma_start3A_108 = tpu.memref_squeeze %dma_start3A_107 : memref<1x640xf32, #tpu.memory_space<vmem>> -> memref<640xf32, #tpu.memory_space<vmem>>
      %dma_start3A_109 = tpu.memref_slice %arg8[%run_scoped3A_46, %mul3A_45] : memref<16x10240xf32, #tpu.memory_space<vmem_shared>> -> memref<1x640xf32, #tpu.memory_space<vmem_shared>>
      %dma_start3A_110 = tpu.memref_squeeze %dma_start3A_109 : memref<1x640xf32, #tpu.memory_space<vmem_shared>> -> memref<640xf32, #tpu.memory_space<vmem_shared>>
      tpu.enqueue_dma source(%dma_start3A_110 : memref<640xf32, #tpu.memory_space<vmem_shared>>) target(%dma_start3A_108 : memref<640xf32, #tpu.memory_space<vmem>>) target_semaphore(%run_scoped3A_101 : memref<!tpu.dma_semaphore, #tpu.memory_space<semaphore_mem>>)
      %dma_wait3A = arith.constant 0 : i32
      %dma_wait3A_111 = tpu.memref_slice %arg6[%run_scoped3A_47, %dma_wait3A] : memref<16x640xf32, #tpu.memory_space<vmem>> -> memref<1x640xf32, #tpu.memory_space<vmem>>
      %dma_wait3A_112 = tpu.memref_squeeze %dma_wait3A_111 : memref<1x640xf32, #tpu.memory_space<vmem>> -> memref<640xf32, #tpu.memory_space<vmem>>
      %dma_wait3A_113 = tpu.memref_slice %arg8[%run_scoped3A_46, %mul3A_45] : memref<16x10240xf32, #tpu.memory_space<vmem_shared>> -> memref<1x640xf32, #tpu.memory_space<vmem_shared>>
      %dma_wait3A_114 = tpu.memref_squeeze %dma_wait3A_113 : memref<1x640xf32, #tpu.memory_space<vmem_shared>> -> memref<640xf32, #tpu.memory_space<vmem_shared>>
      %dma_wait3A_115 = arith.constant 0 : i32
      %dma_wait3A_116 = tpu.memref_slice %arg6[%run_scoped3A_47, %dma_wait3A_115] : memref<16x640xf32, #tpu.memory_space<vmem>> -> memref<1x640xf32, #tpu.memory_space<vmem>>
      %dma_wait3A_117 = tpu.memref_squeeze %dma_wait3A_116 : memref<1x640xf32, #tpu.memory_space<vmem>> -> memref<640xf32, #tpu.memory_space<vmem>>
      %dma_wait3A_118 = tpu.memref_slice %arg8[%run_scoped3A_46, %mul3A_45] : memref<16x10240xf32, #tpu.memory_space<vmem_shared>> -> memref<1x640xf32, #tpu.memory_space<vmem_shared>>
      %dma_wait3A_119 = tpu.memref_squeeze %dma_wait3A_118 : memref<1x640xf32, #tpu.memory_space<vmem_shared>> -> memref<640xf32, #tpu.memory_space<vmem_shared>>
      tpu.wait_dma2 semaphore(%run_scoped3A_101 : memref<!tpu.dma_semaphore, #tpu.memory_space<semaphore_mem>>) src(%dma_wait3A_119 : memref<640xf32, #tpu.memory_space<vmem_shared>>) dst(%dma_wait3A_117 : memref<640xf32, #tpu.memory_space<vmem>>)
      tpu.yield
    }) : () -> ()
    %mul3A_48 = arith.constant 640 : i32
    %mul3A_49 = arith.muli %arg1, %mul3A_48 : i32
    %run_scoped3A_50 = arith.constant 5 : i32
    %run_scoped3A_51 = arith.constant 5 : i32
    "tpu.region"() ({
      %run_scoped3A_101 = tpu.sem_alloc : memref<!tpu.dma_semaphore, #tpu.memory_space<semaphore_mem>>
      %dma_start3A = arith.constant 0 : i32
      %dma_start3A_102 = tpu.memref_slice %arg6[%run_scoped3A_51, %dma_start3A] : memref<16x640xf32, #tpu.memory_space<vmem>> -> memref<1x640xf32, #tpu.memory_space<vmem>>
      %dma_start3A_103 = tpu.memref_squeeze %dma_start3A_102 : memref<1x640xf32, #tpu.memory_space<vmem>> -> memref<640xf32, #tpu.memory_space<vmem>>
      %dma_start3A_104 = tpu.memref_slice %arg8[%run_scoped3A_50, %mul3A_49] : memref<16x10240xf32, #tpu.memory_space<vmem_shared>> -> memref<1x640xf32, #tpu.memory_space<vmem_shared>>
      %dma_start3A_105 = tpu.memref_squeeze %dma_start3A_104 : memref<1x640xf32, #tpu.memory_space<vmem_shared>> -> memref<640xf32, #tpu.memory_space<vmem_shared>>
      %dma_start3A_106 = arith.constant 0 : i32
      %dma_start3A_107 = tpu.memref_slice %arg6[%run_scoped3A_51, %dma_start3A_106] : memref<16x640xf32, #tpu.memory_space<vmem>> -> memref<1x640xf32, #tpu.memory_space<vmem>>
      %dma_start3A_108 = tpu.memref_squeeze %dma_start3A_107 : memref<1x640xf32, #tpu.memory_space<vmem>> -> memref<640xf32, #tpu.memory_space<vmem>>
      %dma_start3A_109 = tpu.memref_slice %arg8[%run_scoped3A_50, %mul3A_49] : memref<16x10240xf32, #tpu.memory_space<vmem_shared>> -> memref<1x640xf32, #tpu.memory_space<vmem_shared>>
      %dma_start3A_110 = tpu.memref_squeeze %dma_start3A_109 : memref<1x640xf32, #tpu.memory_space<vmem_shared>> -> memref<640xf32, #tpu.memory_space<vmem_shared>>
      tpu.enqueue_dma source(%dma_start3A_110 : memref<640xf32, #tpu.memory_space<vmem_shared>>) target(%dma_start3A_108 : memref<640xf32, #tpu.memory_space<vmem>>) target_semaphore(%run_scoped3A_101 : memref<!tpu.dma_semaphore, #tpu.memory_space<semaphore_mem>>)
      %dma_wait3A = arith.constant 0 : i32
      %dma_wait3A_111 = tpu.memref_slice %arg6[%run_scoped3A_51, %dma_wait3A] : memref<16x640xf32, #tpu.memory_space<vmem>> -> memref<1x640xf32, #tpu.memory_space<vmem>>
      %dma_wait3A_112 = tpu.memref_squeeze %dma_wait3A_111 : memref<1x640xf32, #tpu.memory_space<vmem>> -> memref<640xf32, #tpu.memory_space<vmem>>
      %dma_wait3A_113 = tpu.memref_slice %arg8[%run_scoped3A_50, %mul3A_49] : memref<16x10240xf32, #tpu.memory_space<vmem_shared>> -> memref<1x640xf32, #tpu.memory_space<vmem_shared>>
      %dma_wait3A_114 = tpu.memref_squeeze %dma_wait3A_113 : memref<1x640xf32, #tpu.memory_space<vmem_shared>> -> memref<640xf32, #tpu.memory_space<vmem_shared>>
      %dma_wait3A_115 = arith.constant 0 : i32
      %dma_wait3A_116 = tpu.memref_slice %arg6[%run_scoped3A_51, %dma_wait3A_115] : memref<16x640xf32, #tpu.memory_space<vmem>> -> memref<1x640xf32, #tpu.memory_space<vmem>>
      %dma_wait3A_117 = tpu.memref_squeeze %dma_wait3A_116 : memref<1x640xf32, #tpu.memory_space<vmem>> -> memref<640xf32, #tpu.memory_space<vmem>>
      %dma_wait3A_118 = tpu.memref_slice %arg8[%run_scoped3A_50, %mul3A_49] : memref<16x10240xf32, #tpu.memory_space<vmem_shared>> -> memref<1x640xf32, #tpu.memory_space<vmem_shared>>
      %dma_wait3A_119 = tpu.memref_squeeze %dma_wait3A_118 : memref<1x640xf32, #tpu.memory_space<vmem_shared>> -> memref<640xf32, #tpu.memory_space<vmem_shared>>
      tpu.wait_dma2 semaphore(%run_scoped3A_101 : memref<!tpu.dma_semaphore, #tpu.memory_space<semaphore_mem>>) src(%dma_wait3A_119 : memref<640xf32, #tpu.memory_space<vmem_shared>>) dst(%dma_wait3A_117 : memref<640xf32, #tpu.memory_space<vmem>>)
      tpu.yield
    }) : () -> ()
    %mul3A_52 = arith.constant 640 : i32
    %mul3A_53 = arith.muli %arg1, %mul3A_52 : i32
    %run_scoped3A_54 = arith.constant 6 : i32
    %run_scoped3A_55 = arith.constant 6 : i32
    "tpu.region"() ({
      %run_scoped3A_101 = tpu.sem_alloc : memref<!tpu.dma_semaphore, #tpu.memory_space<semaphore_mem>>
      %dma_start3A = arith.constant 0 : i32
      %dma_start3A_102 = tpu.memref_slice %arg6[%run_scoped3A_55, %dma_start3A] : memref<16x640xf32, #tpu.memory_space<vmem>> -> memref<1x640xf32, #tpu.memory_space<vmem>>
      %dma_start3A_103 = tpu.memref_squeeze %dma_start3A_102 : memref<1x640xf32, #tpu.memory_space<vmem>> -> memref<640xf32, #tpu.memory_space<vmem>>
      %dma_start3A_104 = tpu.memref_slice %arg8[%run_scoped3A_54, %mul3A_53] : memref<16x10240xf32, #tpu.memory_space<vmem_shared>> -> memref<1x640xf32, #tpu.memory_space<vmem_shared>>
      %dma_start3A_105 = tpu.memref_squeeze %dma_start3A_104 : memref<1x640xf32, #tpu.memory_space<vmem_shared>> -> memref<640xf32, #tpu.memory_space<vmem_shared>>
      %dma_start3A_106 = arith.constant 0 : i32
      %dma_start3A_107 = tpu.memref_slice %arg6[%run_scoped3A_55, %dma_start3A_106] : memref<16x640xf32, #tpu.memory_space<vmem>> -> memref<1x640xf32, #tpu.memory_space<vmem>>
      %dma_start3A_108 = tpu.memref_squeeze %dma_start3A_107 : memref<1x640xf32, #tpu.memory_space<vmem>> -> memref<640xf32, #tpu.memory_space<vmem>>
      %dma_start3A_109 = tpu.memref_slice %arg8[%run_scoped3A_54, %mul3A_53] : memref<16x10240xf32, #tpu.memory_space<vmem_shared>> -> memref<1x640xf32, #tpu.memory_space<vmem_shared>>
      %dma_start3A_110 = tpu.memref_squeeze %dma_start3A_109 : memref<1x640xf32, #tpu.memory_space<vmem_shared>> -> memref<640xf32, #tpu.memory_space<vmem_shared>>
      tpu.enqueue_dma source(%dma_start3A_110 : memref<640xf32, #tpu.memory_space<vmem_shared>>) target(%dma_start3A_108 : memref<640xf32, #tpu.memory_space<vmem>>) target_semaphore(%run_scoped3A_101 : memref<!tpu.dma_semaphore, #tpu.memory_space<semaphore_mem>>)
      %dma_wait3A = arith.constant 0 : i32
      %dma_wait3A_111 = tpu.memref_slice %arg6[%run_scoped3A_55, %dma_wait3A] : memref<16x640xf32, #tpu.memory_space<vmem>> -> memref<1x640xf32, #tpu.memory_space<vmem>>
      %dma_wait3A_112 = tpu.memref_squeeze %dma_wait3A_111 : memref<1x640xf32, #tpu.memory_space<vmem>> -> memref<640xf32, #tpu.memory_space<vmem>>
      %dma_wait3A_113 = tpu.memref_slice %arg8[%run_scoped3A_54, %mul3A_53] : memref<16x10240xf32, #tpu.memory_space<vmem_shared>> -> memref<1x640xf32, #tpu.memory_space<vmem_shared>>
      %dma_wait3A_114 = tpu.memref_squeeze %dma_wait3A_113 : memref<1x640xf32, #tpu.memory_space<vmem_shared>> -> memref<640xf32, #tpu.memory_space<vmem_shared>>
      %dma_wait3A_115 = arith.constant 0 : i32
      %dma_wait3A_116 = tpu.memref_slice %arg6[%run_scoped3A_55, %dma_wait3A_115] : memref<16x640xf32, #tpu.memory_space<vmem>> -> memref<1x640xf32, #tpu.memory_space<vmem>>
      %dma_wait3A_117 = tpu.memref_squeeze %dma_wait3A_116 : memref<1x640xf32, #tpu.memory_space<vmem>> -> memref<640xf32, #tpu.memory_space<vmem>>
      %dma_wait3A_118 = tpu.memref_slice %arg8[%run_scoped3A_54, %mul3A_53] : memref<16x10240xf32, #tpu.memory_space<vmem_shared>> -> memref<1x640xf32, #tpu.memory_space<vmem_shared>>
      %dma_wait3A_119 = tpu.memref_squeeze %dma_wait3A_118 : memref<1x640xf32, #tpu.memory_space<vmem_shared>> -> memref<640xf32, #tpu.memory_space<vmem_shared>>
      tpu.wait_dma2 semaphore(%run_scoped3A_101 : memref<!tpu.dma_semaphore, #tpu.memory_space<semaphore_mem>>) src(%dma_wait3A_119 : memref<640xf32, #tpu.memory_space<vmem_shared>>) dst(%dma_wait3A_117 : memref<640xf32, #tpu.memory_space<vmem>>)
      tpu.yield
    }) : () -> ()
    %mul3A_56 = arith.constant 640 : i32
    %mul3A_57 = arith.muli %arg1, %mul3A_56 : i32
    %run_scoped3A_58 = arith.constant 7 : i32
    %run_scoped3A_59 = arith.constant 7 : i32
    "tpu.region"() ({
      %run_scoped3A_101 = tpu.sem_alloc : memref<!tpu.dma_semaphore, #tpu.memory_space<semaphore_mem>>
      %dma_start3A = arith.constant 0 : i32
      %dma_start3A_102 = tpu.memref_slice %arg6[%run_scoped3A_59, %dma_start3A] : memref<16x640xf32, #tpu.memory_space<vmem>> -> memref<1x640xf32, #tpu.memory_space<vmem>>
      %dma_start3A_103 = tpu.memref_squeeze %dma_start3A_102 : memref<1x640xf32, #tpu.memory_space<vmem>> -> memref<640xf32, #tpu.memory_space<vmem>>
      %dma_start3A_104 = tpu.memref_slice %arg8[%run_scoped3A_58, %mul3A_57] : memref<16x10240xf32, #tpu.memory_space<vmem_shared>> -> memref<1x640xf32, #tpu.memory_space<vmem_shared>>
      %dma_start3A_105 = tpu.memref_squeeze %dma_start3A_104 : memref<1x640xf32, #tpu.memory_space<vmem_shared>> -> memref<640xf32, #tpu.memory_space<vmem_shared>>
      %dma_start3A_106 = arith.constant 0 : i32
      %dma_start3A_107 = tpu.memref_slice %arg6[%run_scoped3A_59, %dma_start3A_106] : memref<16x640xf32, #tpu.memory_space<vmem>> -> memref<1x640xf32, #tpu.memory_space<vmem>>
      %dma_start3A_108 = tpu.memref_squeeze %dma_start3A_107 : memref<1x640xf32, #tpu.memory_space<vmem>> -> memref<640xf32, #tpu.memory_space<vmem>>
      %dma_start3A_109 = tpu.memref_slice %arg8[%run_scoped3A_58, %mul3A_57] : memref<16x10240xf32, #tpu.memory_space<vmem_shared>> -> memref<1x640xf32, #tpu.memory_space<vmem_shared>>
      %dma_start3A_110 = tpu.memref_squeeze %dma_start3A_109 : memref<1x640xf32, #tpu.memory_space<vmem_shared>> -> memref<640xf32, #tpu.memory_space<vmem_shared>>
      tpu.enqueue_dma source(%dma_start3A_110 : memref<640xf32, #tpu.memory_space<vmem_shared>>) target(%dma_start3A_108 : memref<640xf32, #tpu.memory_space<vmem>>) target_semaphore(%run_scoped3A_101 : memref<!tpu.dma_semaphore, #tpu.memory_space<semaphore_mem>>)
      %dma_wait3A = arith.constant 0 : i32
      %dma_wait3A_111 = tpu.memref_slice %arg6[%run_scoped3A_59, %dma_wait3A] : memref<16x640xf32, #tpu.memory_space<vmem>> -> memref<1x640xf32, #tpu.memory_space<vmem>>
      %dma_wait3A_112 = tpu.memref_squeeze %dma_wait3A_111 : memref<1x640xf32, #tpu.memory_space<vmem>> -> memref<640xf32, #tpu.memory_space<vmem>>
      %dma_wait3A_113 = tpu.memref_slice %arg8[%run_scoped3A_58, %mul3A_57] : memref<16x10240xf32, #tpu.memory_space<vmem_shared>> -> memref<1x640xf32, #tpu.memory_space<vmem_shared>>
      %dma_wait3A_114 = tpu.memref_squeeze %dma_wait3A_113 : memref<1x640xf32, #tpu.memory_space<vmem_shared>> -> memref<640xf32, #tpu.memory_space<vmem_shared>>
      %dma_wait3A_115 = arith.constant 0 : i32
      %dma_wait3A_116 = tpu.memref_slice %arg6[%run_scoped3A_59, %dma_wait3A_115] : memref<16x640xf32, #tpu.memory_space<vmem>> -> memref<1x640xf32, #tpu.memory_space<vmem>>
      %dma_wait3A_117 = tpu.memref_squeeze %dma_wait3A_116 : memref<1x640xf32, #tpu.memory_space<vmem>> -> memref<640xf32, #tpu.memory_space<vmem>>
      %dma_wait3A_118 = tpu.memref_slice %arg8[%run_scoped3A_58, %mul3A_57] : memref<16x10240xf32, #tpu.memory_space<vmem_shared>> -> memref<1x640xf32, #tpu.memory_space<vmem_shared>>
      %dma_wait3A_119 = tpu.memref_squeeze %dma_wait3A_118 : memref<1x640xf32, #tpu.memory_space<vmem_shared>> -> memref<640xf32, #tpu.memory_space<vmem_shared>>
      tpu.wait_dma2 semaphore(%run_scoped3A_101 : memref<!tpu.dma_semaphore, #tpu.memory_space<semaphore_mem>>) src(%dma_wait3A_119 : memref<640xf32, #tpu.memory_space<vmem_shared>>) dst(%dma_wait3A_117 : memref<640xf32, #tpu.memory_space<vmem>>)
      tpu.yield
    }) : () -> ()
    %mul3A_60 = arith.constant 640 : i32
    %mul3A_61 = arith.muli %arg1, %mul3A_60 : i32
    %run_scoped3A_62 = arith.constant 8 : i32
    %run_scoped3A_63 = arith.constant 8 : i32
    "tpu.region"() ({
      %run_scoped3A_101 = tpu.sem_alloc : memref<!tpu.dma_semaphore, #tpu.memory_space<semaphore_mem>>
      %dma_start3A = arith.constant 0 : i32
      %dma_start3A_102 = tpu.memref_slice %arg6[%run_scoped3A_63, %dma_start3A] : memref<16x640xf32, #tpu.memory_space<vmem>> -> memref<1x640xf32, #tpu.memory_space<vmem>>
      %dma_start3A_103 = tpu.memref_squeeze %dma_start3A_102 : memref<1x640xf32, #tpu.memory_space<vmem>> -> memref<640xf32, #tpu.memory_space<vmem>>
      %dma_start3A_104 = tpu.memref_slice %arg8[%run_scoped3A_62, %mul3A_61] : memref<16x10240xf32, #tpu.memory_space<vmem_shared>> -> memref<1x640xf32, #tpu.memory_space<vmem_shared>>
      %dma_start3A_105 = tpu.memref_squeeze %dma_start3A_104 : memref<1x640xf32, #tpu.memory_space<vmem_shared>> -> memref<640xf32, #tpu.memory_space<vmem_shared>>
      %dma_start3A_106 = arith.constant 0 : i32
      %dma_start3A_107 = tpu.memref_slice %arg6[%run_scoped3A_63, %dma_start3A_106] : memref<16x640xf32, #tpu.memory_space<vmem>> -> memref<1x640xf32, #tpu.memory_space<vmem>>
      %dma_start3A_108 = tpu.memref_squeeze %dma_start3A_107 : memref<1x640xf32, #tpu.memory_space<vmem>> -> memref<640xf32, #tpu.memory_space<vmem>>
      %dma_start3A_109 = tpu.memref_slice %arg8[%run_scoped3A_62, %mul3A_61] : memref<16x10240xf32, #tpu.memory_space<vmem_shared>> -> memref<1x640xf32, #tpu.memory_space<vmem_shared>>
      %dma_start3A_110 = tpu.memref_squeeze %dma_start3A_109 : memref<1x640xf32, #tpu.memory_space<vmem_shared>> -> memref<640xf32, #tpu.memory_space<vmem_shared>>
      tpu.enqueue_dma source(%dma_start3A_110 : memref<640xf32, #tpu.memory_space<vmem_shared>>) target(%dma_start3A_108 : memref<640xf32, #tpu.memory_space<vmem>>) target_semaphore(%run_scoped3A_101 : memref<!tpu.dma_semaphore, #tpu.memory_space<semaphore_mem>>)
      %dma_wait3A = arith.constant 0 : i32
      %dma_wait3A_111 = tpu.memref_slice %arg6[%run_scoped3A_63, %dma_wait3A] : memref<16x640xf32, #tpu.memory_space<vmem>> -> memref<1x640xf32, #tpu.memory_space<vmem>>
      %dma_wait3A_112 = tpu.memref_squeeze %dma_wait3A_111 : memref<1x640xf32, #tpu.memory_space<vmem>> -> memref<640xf32, #tpu.memory_space<vmem>>
      %dma_wait3A_113 = tpu.memref_slice %arg8[%run_scoped3A_62, %mul3A_61] : memref<16x10240xf32, #tpu.memory_space<vmem_shared>> -> memref<1x640xf32, #tpu.memory_space<vmem_shared>>
      %dma_wait3A_114 = tpu.memref_squeeze %dma_wait3A_113 : memref<1x640xf32, #tpu.memory_space<vmem_shared>> -> memref<640xf32, #tpu.memory_space<vmem_shared>>
      %dma_wait3A_115 = arith.constant 0 : i32
      %dma_wait3A_116 = tpu.memref_slice %arg6[%run_scoped3A_63, %dma_wait3A_115] : memref<16x640xf32, #tpu.memory_space<vmem>> -> memref<1x640xf32, #tpu.memory_space<vmem>>
      %dma_wait3A_117 = tpu.memref_squeeze %dma_wait3A_116 : memref<1x640xf32, #tpu.memory_space<vmem>> -> memref<640xf32, #tpu.memory_space<vmem>>
      %dma_wait3A_118 = tpu.memref_slice %arg8[%run_scoped3A_62, %mul3A_61] : memref<16x10240xf32, #tpu.memory_space<vmem_shared>> -> memref<1x640xf32, #tpu.memory_space<vmem_shared>>
      %dma_wait3A_119 = tpu.memref_squeeze %dma_wait3A_118 : memref<1x640xf32, #tpu.memory_space<vmem_shared>> -> memref<640xf32, #tpu.memory_space<vmem_shared>>
      tpu.wait_dma2 semaphore(%run_scoped3A_101 : memref<!tpu.dma_semaphore, #tpu.memory_space<semaphore_mem>>) src(%dma_wait3A_119 : memref<640xf32, #tpu.memory_space<vmem_shared>>) dst(%dma_wait3A_117 : memref<640xf32, #tpu.memory_space<vmem>>)
      tpu.yield
    }) : () -> ()
    %mul3A_64 = arith.constant 640 : i32
    %mul3A_65 = arith.muli %arg1, %mul3A_64 : i32
    %run_scoped3A_66 = arith.constant 9 : i32
    %run_scoped3A_67 = arith.constant 9 : i32
    "tpu.region"() ({
      %run_scoped3A_101 = tpu.sem_alloc : memref<!tpu.dma_semaphore, #tpu.memory_space<semaphore_mem>>
      %dma_start3A = arith.constant 0 : i32
      %dma_start3A_102 = tpu.memref_slice %arg6[%run_scoped3A_67, %dma_start3A] : memref<16x640xf32, #tpu.memory_space<vmem>> -> memref<1x640xf32, #tpu.memory_space<vmem>>
      %dma_start3A_103 = tpu.memref_squeeze %dma_start3A_102 : memref<1x640xf32, #tpu.memory_space<vmem>> -> memref<640xf32, #tpu.memory_space<vmem>>
      %dma_start3A_104 = tpu.memref_slice %arg8[%run_scoped3A_66, %mul3A_65] : memref<16x10240xf32, #tpu.memory_space<vmem_shared>> -> memref<1x640xf32, #tpu.memory_space<vmem_shared>>
      %dma_start3A_105 = tpu.memref_squeeze %dma_start3A_104 : memref<1x640xf32, #tpu.memory_space<vmem_shared>> -> memref<640xf32, #tpu.memory_space<vmem_shared>>
      %dma_start3A_106 = arith.constant 0 : i32
      %dma_start3A_107 = tpu.memref_slice %arg6[%run_scoped3A_67, %dma_start3A_106] : memref<16x640xf32, #tpu.memory_space<vmem>> -> memref<1x640xf32, #tpu.memory_space<vmem>>
      %dma_start3A_108 = tpu.memref_squeeze %dma_start3A_107 : memref<1x640xf32, #tpu.memory_space<vmem>> -> memref<640xf32, #tpu.memory_space<vmem>>
      %dma_start3A_109 = tpu.memref_slice %arg8[%run_scoped3A_66, %mul3A_65] : memref<16x10240xf32, #tpu.memory_space<vmem_shared>> -> memref<1x640xf32, #tpu.memory_space<vmem_shared>>
      %dma_start3A_110 = tpu.memref_squeeze %dma_start3A_109 : memref<1x640xf32, #tpu.memory_space<vmem_shared>> -> memref<640xf32, #tpu.memory_space<vmem_shared>>
      tpu.enqueue_dma source(%dma_start3A_110 : memref<640xf32, #tpu.memory_space<vmem_shared>>) target(%dma_start3A_108 : memref<640xf32, #tpu.memory_space<vmem>>) target_semaphore(%run_scoped3A_101 : memref<!tpu.dma_semaphore, #tpu.memory_space<semaphore_mem>>)
      %dma_wait3A = arith.constant 0 : i32
      %dma_wait3A_111 = tpu.memref_slice %arg6[%run_scoped3A_67, %dma_wait3A] : memref<16x640xf32, #tpu.memory_space<vmem>> -> memref<1x640xf32, #tpu.memory_space<vmem>>
      %dma_wait3A_112 = tpu.memref_squeeze %dma_wait3A_111 : memref<1x640xf32, #tpu.memory_space<vmem>> -> memref<640xf32, #tpu.memory_space<vmem>>
      %dma_wait3A_113 = tpu.memref_slice %arg8[%run_scoped3A_66, %mul3A_65] : memref<16x10240xf32, #tpu.memory_space<vmem_shared>> -> memref<1x640xf32, #tpu.memory_space<vmem_shared>>
      %dma_wait3A_114 = tpu.memref_squeeze %dma_wait3A_113 : memref<1x640xf32, #tpu.memory_space<vmem_shared>> -> memref<640xf32, #tpu.memory_space<vmem_shared>>
      %dma_wait3A_115 = arith.constant 0 : i32
      %dma_wait3A_116 = tpu.memref_slice %arg6[%run_scoped3A_67, %dma_wait3A_115] : memref<16x640xf32, #tpu.memory_space<vmem>> -> memref<1x640xf32, #tpu.memory_space<vmem>>
      %dma_wait3A_117 = tpu.memref_squeeze %dma_wait3A_116 : memref<1x640xf32, #tpu.memory_space<vmem>> -> memref<640xf32, #tpu.memory_space<vmem>>
      %dma_wait3A_118 = tpu.memref_slice %arg8[%run_scoped3A_66, %mul3A_65] : memref<16x10240xf32, #tpu.memory_space<vmem_shared>> -> memref<1x640xf32, #tpu.memory_space<vmem_shared>>
      %dma_wait3A_119 = tpu.memref_squeeze %dma_wait3A_118 : memref<1x640xf32, #tpu.memory_space<vmem_shared>> -> memref<640xf32, #tpu.memory_space<vmem_shared>>
      tpu.wait_dma2 semaphore(%run_scoped3A_101 : memref<!tpu.dma_semaphore, #tpu.memory_space<semaphore_mem>>) src(%dma_wait3A_119 : memref<640xf32, #tpu.memory_space<vmem_shared>>) dst(%dma_wait3A_117 : memref<640xf32, #tpu.memory_space<vmem>>)
      tpu.yield
    }) : () -> ()
    %mul3A_68 = arith.constant 640 : i32
    %mul3A_69 = arith.muli %arg1, %mul3A_68 : i32
    %run_scoped3A_70 = arith.constant 10 : i32
    %run_scoped3A_71 = arith.constant 10 : i32
    "tpu.region"() ({
      %run_scoped3A_101 = tpu.sem_alloc : memref<!tpu.dma_semaphore, #tpu.memory_space<semaphore_mem>>
      %dma_start3A = arith.constant 0 : i32
      %dma_start3A_102 = tpu.memref_slice %arg6[%run_scoped3A_71, %dma_start3A] : memref<16x640xf32, #tpu.memory_space<vmem>> -> memref<1x640xf32, #tpu.memory_space<vmem>>
      %dma_start3A_103 = tpu.memref_squeeze %dma_start3A_102 : memref<1x640xf32, #tpu.memory_space<vmem>> -> memref<640xf32, #tpu.memory_space<vmem>>
      %dma_start3A_104 = tpu.memref_slice %arg8[%run_scoped3A_70, %mul3A_69] : memref<16x10240xf32, #tpu.memory_space<vmem_shared>> -> memref<1x640xf32, #tpu.memory_space<vmem_shared>>
      %dma_start3A_105 = tpu.memref_squeeze %dma_start3A_104 : memref<1x640xf32, #tpu.memory_space<vmem_shared>> -> memref<640xf32, #tpu.memory_space<vmem_shared>>
      %dma_start3A_106 = arith.constant 0 : i32
      %dma_start3A_107 = tpu.memref_slice %arg6[%run_scoped3A_71, %dma_start3A_106] : memref<16x640xf32, #tpu.memory_space<vmem>> -> memref<1x640xf32, #tpu.memory_space<vmem>>
      %dma_start3A_108 = tpu.memref_squeeze %dma_start3A_107 : memref<1x640xf32, #tpu.memory_space<vmem>> -> memref<640xf32, #tpu.memory_space<vmem>>
      %dma_start3A_109 = tpu.memref_slice %arg8[%run_scoped3A_70, %mul3A_69] : memref<16x10240xf32, #tpu.memory_space<vmem_shared>> -> memref<1x640xf32, #tpu.memory_space<vmem_shared>>
      %dma_start3A_110 = tpu.memref_squeeze %dma_start3A_109 : memref<1x640xf32, #tpu.memory_space<vmem_shared>> -> memref<640xf32, #tpu.memory_space<vmem_shared>>
      tpu.enqueue_dma source(%dma_start3A_110 : memref<640xf32, #tpu.memory_space<vmem_shared>>) target(%dma_start3A_108 : memref<640xf32, #tpu.memory_space<vmem>>) target_semaphore(%run_scoped3A_101 : memref<!tpu.dma_semaphore, #tpu.memory_space<semaphore_mem>>)
      %dma_wait3A = arith.constant 0 : i32
      %dma_wait3A_111 = tpu.memref_slice %arg6[%run_scoped3A_71, %dma_wait3A] : memref<16x640xf32, #tpu.memory_space<vmem>> -> memref<1x640xf32, #tpu.memory_space<vmem>>
      %dma_wait3A_112 = tpu.memref_squeeze %dma_wait3A_111 : memref<1x640xf32, #tpu.memory_space<vmem>> -> memref<640xf32, #tpu.memory_space<vmem>>
      %dma_wait3A_113 = tpu.memref_slice %arg8[%run_scoped3A_70, %mul3A_69] : memref<16x10240xf32, #tpu.memory_space<vmem_shared>> -> memref<1x640xf32, #tpu.memory_space<vmem_shared>>
      %dma_wait3A_114 = tpu.memref_squeeze %dma_wait3A_113 : memref<1x640xf32, #tpu.memory_space<vmem_shared>> -> memref<640xf32, #tpu.memory_space<vmem_shared>>
      %dma_wait3A_115 = arith.constant 0 : i32
      %dma_wait3A_116 = tpu.memref_slice %arg6[%run_scoped3A_71, %dma_wait3A_115] : memref<16x640xf32, #tpu.memory_space<vmem>> -> memref<1x640xf32, #tpu.memory_space<vmem>>
      %dma_wait3A_117 = tpu.memref_squeeze %dma_wait3A_116 : memref<1x640xf32, #tpu.memory_space<vmem>> -> memref<640xf32, #tpu.memory_space<vmem>>
      %dma_wait3A_118 = tpu.memref_slice %arg8[%run_scoped3A_70, %mul3A_69] : memref<16x10240xf32, #tpu.memory_space<vmem_shared>> -> memref<1x640xf32, #tpu.memory_space<vmem_shared>>
      %dma_wait3A_119 = tpu.memref_squeeze %dma_wait3A_118 : memref<1x640xf32, #tpu.memory_space<vmem_shared>> -> memref<640xf32, #tpu.memory_space<vmem_shared>>
      tpu.wait_dma2 semaphore(%run_scoped3A_101 : memref<!tpu.dma_semaphore, #tpu.memory_space<semaphore_mem>>) src(%dma_wait3A_119 : memref<640xf32, #tpu.memory_space<vmem_shared>>) dst(%dma_wait3A_117 : memref<640xf32, #tpu.memory_space<vmem>>)
      tpu.yield
    }) : () -> ()
    %mul3A_72 = arith.constant 640 : i32
    %mul3A_73 = arith.muli %arg1, %mul3A_72 : i32
    %run_scoped3A_74 = arith.constant 11 : i32
    %run_scoped3A_75 = arith.constant 11 : i32
    "tpu.region"() ({
      %run_scoped3A_101 = tpu.sem_alloc : memref<!tpu.dma_semaphore, #tpu.memory_space<semaphore_mem>>
      %dma_start3A = arith.constant 0 : i32
      %dma_start3A_102 = tpu.memref_slice %arg6[%run_scoped3A_75, %dma_start3A] : memref<16x640xf32, #tpu.memory_space<vmem>> -> memref<1x640xf32, #tpu.memory_space<vmem>>
      %dma_start3A_103 = tpu.memref_squeeze %dma_start3A_102 : memref<1x640xf32, #tpu.memory_space<vmem>> -> memref<640xf32, #tpu.memory_space<vmem>>
      %dma_start3A_104 = tpu.memref_slice %arg8[%run_scoped3A_74, %mul3A_73] : memref<16x10240xf32, #tpu.memory_space<vmem_shared>> -> memref<1x640xf32, #tpu.memory_space<vmem_shared>>
      %dma_start3A_105 = tpu.memref_squeeze %dma_start3A_104 : memref<1x640xf32, #tpu.memory_space<vmem_shared>> -> memref<640xf32, #tpu.memory_space<vmem_shared>>
      %dma_start3A_106 = arith.constant 0 : i32
      %dma_start3A_107 = tpu.memref_slice %arg6[%run_scoped3A_75, %dma_start3A_106] : memref<16x640xf32, #tpu.memory_space<vmem>> -> memref<1x640xf32, #tpu.memory_space<vmem>>
      %dma_start3A_108 = tpu.memref_squeeze %dma_start3A_107 : memref<1x640xf32, #tpu.memory_space<vmem>> -> memref<640xf32, #tpu.memory_space<vmem>>
      %dma_start3A_109 = tpu.memref_slice %arg8[%run_scoped3A_74, %mul3A_73] : memref<16x10240xf32, #tpu.memory_space<vmem_shared>> -> memref<1x640xf32, #tpu.memory_space<vmem_shared>>
      %dma_start3A_110 = tpu.memref_squeeze %dma_start3A_109 : memref<1x640xf32, #tpu.memory_space<vmem_shared>> -> memref<640xf32, #tpu.memory_space<vmem_shared>>
      tpu.enqueue_dma source(%dma_start3A_110 : memref<640xf32, #tpu.memory_space<vmem_shared>>) target(%dma_start3A_108 : memref<640xf32, #tpu.memory_space<vmem>>) target_semaphore(%run_scoped3A_101 : memref<!tpu.dma_semaphore, #tpu.memory_space<semaphore_mem>>)
      %dma_wait3A = arith.constant 0 : i32
      %dma_wait3A_111 = tpu.memref_slice %arg6[%run_scoped3A_75, %dma_wait3A] : memref<16x640xf32, #tpu.memory_space<vmem>> -> memref<1x640xf32, #tpu.memory_space<vmem>>
      %dma_wait3A_112 = tpu.memref_squeeze %dma_wait3A_111 : memref<1x640xf32, #tpu.memory_space<vmem>> -> memref<640xf32, #tpu.memory_space<vmem>>
      %dma_wait3A_113 = tpu.memref_slice %arg8[%run_scoped3A_74, %mul3A_73] : memref<16x10240xf32, #tpu.memory_space<vmem_shared>> -> memref<1x640xf32, #tpu.memory_space<vmem_shared>>
      %dma_wait3A_114 = tpu.memref_squeeze %dma_wait3A_113 : memref<1x640xf32, #tpu.memory_space<vmem_shared>> -> memref<640xf32, #tpu.memory_space<vmem_shared>>
      %dma_wait3A_115 = arith.constant 0 : i32
      %dma_wait3A_116 = tpu.memref_slice %arg6[%run_scoped3A_75, %dma_wait3A_115] : memref<16x640xf32, #tpu.memory_space<vmem>> -> memref<1x640xf32, #tpu.memory_space<vmem>>
      %dma_wait3A_117 = tpu.memref_squeeze %dma_wait3A_116 : memref<1x640xf32, #tpu.memory_space<vmem>> -> memref<640xf32, #tpu.memory_space<vmem>>
      %dma_wait3A_118 = tpu.memref_slice %arg8[%run_scoped3A_74, %mul3A_73] : memref<16x10240xf32, #tpu.memory_space<vmem_shared>> -> memref<1x640xf32, #tpu.memory_space<vmem_shared>>
      %dma_wait3A_119 = tpu.memref_squeeze %dma_wait3A_118 : memref<1x640xf32, #tpu.memory_space<vmem_shared>> -> memref<640xf32, #tpu.memory_space<vmem_shared>>
      tpu.wait_dma2 semaphore(%run_scoped3A_101 : memref<!tpu.dma_semaphore, #tpu.memory_space<semaphore_mem>>) src(%dma_wait3A_119 : memref<640xf32, #tpu.memory_space<vmem_shared>>) dst(%dma_wait3A_117 : memref<640xf32, #tpu.memory_space<vmem>>)
      tpu.yield
    }) : () -> ()
    %mul3A_76 = arith.constant 640 : i32
    %mul3A_77 = arith.muli %arg1, %mul3A_76 : i32
    %run_scoped3A_78 = arith.constant 12 : i32
    %run_scoped3A_79 = arith.constant 12 : i32
    "tpu.region"() ({
      %run_scoped3A_101 = tpu.sem_alloc : memref<!tpu.dma_semaphore, #tpu.memory_space<semaphore_mem>>
      %dma_start3A = arith.constant 0 : i32
      %dma_start3A_102 = tpu.memref_slice %arg6[%run_scoped3A_79, %dma_start3A] : memref<16x640xf32, #tpu.memory_space<vmem>> -> memref<1x640xf32, #tpu.memory_space<vmem>>
      %dma_start3A_103 = tpu.memref_squeeze %dma_start3A_102 : memref<1x640xf32, #tpu.memory_space<vmem>> -> memref<640xf32, #tpu.memory_space<vmem>>
      %dma_start3A_104 = tpu.memref_slice %arg8[%run_scoped3A_78, %mul3A_77] : memref<16x10240xf32, #tpu.memory_space<vmem_shared>> -> memref<1x640xf32, #tpu.memory_space<vmem_shared>>
      %dma_start3A_105 = tpu.memref_squeeze %dma_start3A_104 : memref<1x640xf32, #tpu.memory_space<vmem_shared>> -> memref<640xf32, #tpu.memory_space<vmem_shared>>
      %dma_start3A_106 = arith.constant 0 : i32
      %dma_start3A_107 = tpu.memref_slice %arg6[%run_scoped3A_79, %dma_start3A_106] : memref<16x640xf32, #tpu.memory_space<vmem>> -> memref<1x640xf32, #tpu.memory_space<vmem>>
      %dma_start3A_108 = tpu.memref_squeeze %dma_start3A_107 : memref<1x640xf32, #tpu.memory_space<vmem>> -> memref<640xf32, #tpu.memory_space<vmem>>
      %dma_start3A_109 = tpu.memref_slice %arg8[%run_scoped3A_78, %mul3A_77] : memref<16x10240xf32, #tpu.memory_space<vmem_shared>> -> memref<1x640xf32, #tpu.memory_space<vmem_shared>>
      %dma_start3A_110 = tpu.memref_squeeze %dma_start3A_109 : memref<1x640xf32, #tpu.memory_space<vmem_shared>> -> memref<640xf32, #tpu.memory_space<vmem_shared>>
      tpu.enqueue_dma source(%dma_start3A_110 : memref<640xf32, #tpu.memory_space<vmem_shared>>) target(%dma_start3A_108 : memref<640xf32, #tpu.memory_space<vmem>>) target_semaphore(%run_scoped3A_101 : memref<!tpu.dma_semaphore, #tpu.memory_space<semaphore_mem>>)
      %dma_wait3A = arith.constant 0 : i32
      %dma_wait3A_111 = tpu.memref_slice %arg6[%run_scoped3A_79, %dma_wait3A] : memref<16x640xf32, #tpu.memory_space<vmem>> -> memref<1x640xf32, #tpu.memory_space<vmem>>
      %dma_wait3A_112 = tpu.memref_squeeze %dma_wait3A_111 : memref<1x640xf32, #tpu.memory_space<vmem>> -> memref<640xf32, #tpu.memory_space<vmem>>
      %dma_wait3A_113 = tpu.memref_slice %arg8[%run_scoped3A_78, %mul3A_77] : memref<16x10240xf32, #tpu.memory_space<vmem_shared>> -> memref<1x640xf32, #tpu.memory_space<vmem_shared>>
      %dma_wait3A_114 = tpu.memref_squeeze %dma_wait3A_113 : memref<1x640xf32, #tpu.memory_space<vmem_shared>> -> memref<640xf32, #tpu.memory_space<vmem_shared>>
      %dma_wait3A_115 = arith.constant 0 : i32
      %dma_wait3A_116 = tpu.memref_slice %arg6[%run_scoped3A_79, %dma_wait3A_115] : memref<16x640xf32, #tpu.memory_space<vmem>> -> memref<1x640xf32, #tpu.memory_space<vmem>>
      %dma_wait3A_117 = tpu.memref_squeeze %dma_wait3A_116 : memref<1x640xf32, #tpu.memory_space<vmem>> -> memref<640xf32, #tpu.memory_space<vmem>>
      %dma_wait3A_118 = tpu.memref_slice %arg8[%run_scoped3A_78, %mul3A_77] : memref<16x10240xf32, #tpu.memory_space<vmem_shared>> -> memref<1x640xf32, #tpu.memory_space<vmem_shared>>
      %dma_wait3A_119 = tpu.memref_squeeze %dma_wait3A_118 : memref<1x640xf32, #tpu.memory_space<vmem_shared>> -> memref<640xf32, #tpu.memory_space<vmem_shared>>
      tpu.wait_dma2 semaphore(%run_scoped3A_101 : memref<!tpu.dma_semaphore, #tpu.memory_space<semaphore_mem>>) src(%dma_wait3A_119 : memref<640xf32, #tpu.memory_space<vmem_shared>>) dst(%dma_wait3A_117 : memref<640xf32, #tpu.memory_space<vmem>>)
      tpu.yield
    }) : () -> ()
    %mul3A_80 = arith.constant 640 : i32
    %mul3A_81 = arith.muli %arg1, %mul3A_80 : i32
    %run_scoped3A_82 = arith.constant 13 : i32
    %run_scoped3A_83 = arith.constant 13 : i32
    "tpu.region"() ({
      %run_scoped3A_101 = tpu.sem_alloc : memref<!tpu.dma_semaphore, #tpu.memory_space<semaphore_mem>>
      %dma_start3A = arith.constant 0 : i32
      %dma_start3A_102 = tpu.memref_slice %arg6[%run_scoped3A_83, %dma_start3A] : memref<16x640xf32, #tpu.memory_space<vmem>> -> memref<1x640xf32, #tpu.memory_space<vmem>>
      %dma_start3A_103 = tpu.memref_squeeze %dma_start3A_102 : memref<1x640xf32, #tpu.memory_space<vmem>> -> memref<640xf32, #tpu.memory_space<vmem>>
      %dma_start3A_104 = tpu.memref_slice %arg8[%run_scoped3A_82, %mul3A_81] : memref<16x10240xf32, #tpu.memory_space<vmem_shared>> -> memref<1x640xf32, #tpu.memory_space<vmem_shared>>
      %dma_start3A_105 = tpu.memref_squeeze %dma_start3A_104 : memref<1x640xf32, #tpu.memory_space<vmem_shared>> -> memref<640xf32, #tpu.memory_space<vmem_shared>>
      %dma_start3A_106 = arith.constant 0 : i32
      %dma_start3A_107 = tpu.memref_slice %arg6[%run_scoped3A_83, %dma_start3A_106] : memref<16x640xf32, #tpu.memory_space<vmem>> -> memref<1x640xf32, #tpu.memory_space<vmem>>
      %dma_start3A_108 = tpu.memref_squeeze %dma_start3A_107 : memref<1x640xf32, #tpu.memory_space<vmem>> -> memref<640xf32, #tpu.memory_space<vmem>>
      %dma_start3A_109 = tpu.memref_slice %arg8[%run_scoped3A_82, %mul3A_81] : memref<16x10240xf32, #tpu.memory_space<vmem_shared>> -> memref<1x640xf32, #tpu.memory_space<vmem_shared>>
      %dma_start3A_110 = tpu.memref_squeeze %dma_start3A_109 : memref<1x640xf32, #tpu.memory_space<vmem_shared>> -> memref<640xf32, #tpu.memory_space<vmem_shared>>
      tpu.enqueue_dma source(%dma_start3A_110 : memref<640xf32, #tpu.memory_space<vmem_shared>>) target(%dma_start3A_108 : memref<640xf32, #tpu.memory_space<vmem>>) target_semaphore(%run_scoped3A_101 : memref<!tpu.dma_semaphore, #tpu.memory_space<semaphore_mem>>)
      %dma_wait3A = arith.constant 0 : i32
      %dma_wait3A_111 = tpu.memref_slice %arg6[%run_scoped3A_83, %dma_wait3A] : memref<16x640xf32, #tpu.memory_space<vmem>> -> memref<1x640xf32, #tpu.memory_space<vmem>>
      %dma_wait3A_112 = tpu.memref_squeeze %dma_wait3A_111 : memref<1x640xf32, #tpu.memory_space<vmem>> -> memref<640xf32, #tpu.memory_space<vmem>>
      %dma_wait3A_113 = tpu.memref_slice %arg8[%run_scoped3A_82, %mul3A_81] : memref<16x10240xf32, #tpu.memory_space<vmem_shared>> -> memref<1x640xf32, #tpu.memory_space<vmem_shared>>
      %dma_wait3A_114 = tpu.memref_squeeze %dma_wait3A_113 : memref<1x640xf32, #tpu.memory_space<vmem_shared>> -> memref<640xf32, #tpu.memory_space<vmem_shared>>
      %dma_wait3A_115 = arith.constant 0 : i32
      %dma_wait3A_116 = tpu.memref_slice %arg6[%run_scoped3A_83, %dma_wait3A_115] : memref<16x640xf32, #tpu.memory_space<vmem>> -> memref<1x640xf32, #tpu.memory_space<vmem>>
      %dma_wait3A_117 = tpu.memref_squeeze %dma_wait3A_116 : memref<1x640xf32, #tpu.memory_space<vmem>> -> memref<640xf32, #tpu.memory_space<vmem>>
      %dma_wait3A_118 = tpu.memref_slice %arg8[%run_scoped3A_82, %mul3A_81] : memref<16x10240xf32, #tpu.memory_space<vmem_shared>> -> memref<1x640xf32, #tpu.memory_space<vmem_shared>>
      %dma_wait3A_119 = tpu.memref_squeeze %dma_wait3A_118 : memref<1x640xf32, #tpu.memory_space<vmem_shared>> -> memref<640xf32, #tpu.memory_space<vmem_shared>>
      tpu.wait_dma2 semaphore(%run_scoped3A_101 : memref<!tpu.dma_semaphore, #tpu.memory_space<semaphore_mem>>) src(%dma_wait3A_119 : memref<640xf32, #tpu.memory_space<vmem_shared>>) dst(%dma_wait3A_117 : memref<640xf32, #tpu.memory_space<vmem>>)
      tpu.yield
    }) : () -> ()
    %mul3A_84 = arith.constant 640 : i32
    %mul3A_85 = arith.muli %arg1, %mul3A_84 : i32
    %run_scoped3A_86 = arith.constant 14 : i32
    %run_scoped3A_87 = arith.constant 14 : i32
    "tpu.region"() ({
      %run_scoped3A_101 = tpu.sem_alloc : memref<!tpu.dma_semaphore, #tpu.memory_space<semaphore_mem>>
      %dma_start3A = arith.constant 0 : i32
      %dma_start3A_102 = tpu.memref_slice %arg6[%run_scoped3A_87, %dma_start3A] : memref<16x640xf32, #tpu.memory_space<vmem>> -> memref<1x640xf32, #tpu.memory_space<vmem>>
      %dma_start3A_103 = tpu.memref_squeeze %dma_start3A_102 : memref<1x640xf32, #tpu.memory_space<vmem>> -> memref<640xf32, #tpu.memory_space<vmem>>
      %dma_start3A_104 = tpu.memref_slice %arg8[%run_scoped3A_86, %mul3A_85] : memref<16x10240xf32, #tpu.memory_space<vmem_shared>> -> memref<1x640xf32, #tpu.memory_space<vmem_shared>>
      %dma_start3A_105 = tpu.memref_squeeze %dma_start3A_104 : memref<1x640xf32, #tpu.memory_space<vmem_shared>> -> memref<640xf32, #tpu.memory_space<vmem_shared>>
      %dma_start3A_106 = arith.constant 0 : i32
      %dma_start3A_107 = tpu.memref_slice %arg6[%run_scoped3A_87, %dma_start3A_106] : memref<16x640xf32, #tpu.memory_space<vmem>> -> memref<1x640xf32, #tpu.memory_space<vmem>>
      %dma_start3A_108 = tpu.memref_squeeze %dma_start3A_107 : memref<1x640xf32, #tpu.memory_space<vmem>> -> memref<640xf32, #tpu.memory_space<vmem>>
      %dma_start3A_109 = tpu.memref_slice %arg8[%run_scoped3A_86, %mul3A_85] : memref<16x10240xf32, #tpu.memory_space<vmem_shared>> -> memref<1x640xf32, #tpu.memory_space<vmem_shared>>
      %dma_start3A_110 = tpu.memref_squeeze %dma_start3A_109 : memref<1x640xf32, #tpu.memory_space<vmem_shared>> -> memref<640xf32, #tpu.memory_space<vmem_shared>>
      tpu.enqueue_dma source(%dma_start3A_110 : memref<640xf32, #tpu.memory_space<vmem_shared>>) target(%dma_start3A_108 : memref<640xf32, #tpu.memory_space<vmem>>) target_semaphore(%run_scoped3A_101 : memref<!tpu.dma_semaphore, #tpu.memory_space<semaphore_mem>>)
      %dma_wait3A = arith.constant 0 : i32
      %dma_wait3A_111 = tpu.memref_slice %arg6[%run_scoped3A_87, %dma_wait3A] : memref<16x640xf32, #tpu.memory_space<vmem>> -> memref<1x640xf32, #tpu.memory_space<vmem>>
      %dma_wait3A_112 = tpu.memref_squeeze %dma_wait3A_111 : memref<1x640xf32, #tpu.memory_space<vmem>> -> memref<640xf32, #tpu.memory_space<vmem>>
      %dma_wait3A_113 = tpu.memref_slice %arg8[%run_scoped3A_86, %mul3A_85] : memref<16x10240xf32, #tpu.memory_space<vmem_shared>> -> memref<1x640xf32, #tpu.memory_space<vmem_shared>>
      %dma_wait3A_114 = tpu.memref_squeeze %dma_wait3A_113 : memref<1x640xf32, #tpu.memory_space<vmem_shared>> -> memref<640xf32, #tpu.memory_space<vmem_shared>>
      %dma_wait3A_115 = arith.constant 0 : i32
      %dma_wait3A_116 = tpu.memref_slice %arg6[%run_scoped3A_87, %dma_wait3A_115] : memref<16x640xf32, #tpu.memory_space<vmem>> -> memref<1x640xf32, #tpu.memory_space<vmem>>
      %dma_wait3A_117 = tpu.memref_squeeze %dma_wait3A_116 : memref<1x640xf32, #tpu.memory_space<vmem>> -> memref<640xf32, #tpu.memory_space<vmem>>
      %dma_wait3A_118 = tpu.memref_slice %arg8[%run_scoped3A_86, %mul3A_85] : memref<16x10240xf32, #tpu.memory_space<vmem_shared>> -> memref<1x640xf32, #tpu.memory_space<vmem_shared>>
      %dma_wait3A_119 = tpu.memref_squeeze %dma_wait3A_118 : memref<1x640xf32, #tpu.memory_space<vmem_shared>> -> memref<640xf32, #tpu.memory_space<vmem_shared>>
      tpu.wait_dma2 semaphore(%run_scoped3A_101 : memref<!tpu.dma_semaphore, #tpu.memory_space<semaphore_mem>>) src(%dma_wait3A_119 : memref<640xf32, #tpu.memory_space<vmem_shared>>) dst(%dma_wait3A_117 : memref<640xf32, #tpu.memory_space<vmem>>)
      tpu.yield
    }) : () -> ()
    %mul3A_88 = arith.constant 640 : i32
    %mul3A_89 = arith.muli %arg1, %mul3A_88 : i32
    %run_scoped3A_90 = arith.constant 15 : i32
    %run_scoped3A_91 = arith.constant 15 : i32
    "tpu.region"() ({
      %run_scoped3A_101 = tpu.sem_alloc : memref<!tpu.dma_semaphore, #tpu.memory_space<semaphore_mem>>
      %dma_start3A = arith.constant 0 : i32
      %dma_start3A_102 = tpu.memref_slice %arg6[%run_scoped3A_91, %dma_start3A] : memref<16x640xf32, #tpu.memory_space<vmem>> -> memref<1x640xf32, #tpu.memory_space<vmem>>
      %dma_start3A_103 = tpu.memref_squeeze %dma_start3A_102 : memref<1x640xf32, #tpu.memory_space<vmem>> -> memref<640xf32, #tpu.memory_space<vmem>>
      %dma_start3A_104 = tpu.memref_slice %arg8[%run_scoped3A_90, %mul3A_89] : memref<16x10240xf32, #tpu.memory_space<vmem_shared>> -> memref<1x640xf32, #tpu.memory_space<vmem_shared>>
      %dma_start3A_105 = tpu.memref_squeeze %dma_start3A_104 : memref<1x640xf32, #tpu.memory_space<vmem_shared>> -> memref<640xf32, #tpu.memory_space<vmem_shared>>
      %dma_start3A_106 = arith.constant 0 : i32
      %dma_start3A_107 = tpu.memref_slice %arg6[%run_scoped3A_91, %dma_start3A_106] : memref<16x640xf32, #tpu.memory_space<vmem>> -> memref<1x640xf32, #tpu.memory_space<vmem>>
      %dma_start3A_108 = tpu.memref_squeeze %dma_start3A_107 : memref<1x640xf32, #tpu.memory_space<vmem>> -> memref<640xf32, #tpu.memory_space<vmem>>
      %dma_start3A_109 = tpu.memref_slice %arg8[%run_scoped3A_90, %mul3A_89] : memref<16x10240xf32, #tpu.memory_space<vmem_shared>> -> memref<1x640xf32, #tpu.memory_space<vmem_shared>>
      %dma_start3A_110 = tpu.memref_squeeze %dma_start3A_109 : memref<1x640xf32, #tpu.memory_space<vmem_shared>> -> memref<640xf32, #tpu.memory_space<vmem_shared>>
      tpu.enqueue_dma source(%dma_start3A_110 : memref<640xf32, #tpu.memory_space<vmem_shared>>) target(%dma_start3A_108 : memref<640xf32, #tpu.memory_space<vmem>>) target_semaphore(%run_scoped3A_101 : memref<!tpu.dma_semaphore, #tpu.memory_space<semaphore_mem>>)
      %dma_wait3A = arith.constant 0 : i32
      %dma_wait3A_111 = tpu.memref_slice %arg6[%run_scoped3A_91, %dma_wait3A] : memref<16x640xf32, #tpu.memory_space<vmem>> -> memref<1x640xf32, #tpu.memory_space<vmem>>
      %dma_wait3A_112 = tpu.memref_squeeze %dma_wait3A_111 : memref<1x640xf32, #tpu.memory_space<vmem>> -> memref<640xf32, #tpu.memory_space<vmem>>
      %dma_wait3A_113 = tpu.memref_slice %arg8[%run_scoped3A_90, %mul3A_89] : memref<16x10240xf32, #tpu.memory_space<vmem_shared>> -> memref<1x640xf32, #tpu.memory_space<vmem_shared>>
      %dma_wait3A_114 = tpu.memref_squeeze %dma_wait3A_113 : memref<1x640xf32, #tpu.memory_space<vmem_shared>> -> memref<640xf32, #tpu.memory_space<vmem_shared>>
      %dma_wait3A_115 = arith.constant 0 : i32
      %dma_wait3A_116 = tpu.memref_slice %arg6[%run_scoped3A_91, %dma_wait3A_115] : memref<16x640xf32, #tpu.memory_space<vmem>> -> memref<1x640xf32, #tpu.memory_space<vmem>>
      %dma_wait3A_117 = tpu.memref_squeeze %dma_wait3A_116 : memref<1x640xf32, #tpu.memory_space<vmem>> -> memref<640xf32, #tpu.memory_space<vmem>>
      %dma_wait3A_118 = tpu.memref_slice %arg8[%run_scoped3A_90, %mul3A_89] : memref<16x10240xf32, #tpu.memory_space<vmem_shared>> -> memref<1x640xf32, #tpu.memory_space<vmem_shared>>
      %dma_wait3A_119 = tpu.memref_squeeze %dma_wait3A_118 : memref<1x640xf32, #tpu.memory_space<vmem_shared>> -> memref<640xf32, #tpu.memory_space<vmem_shared>>
      tpu.wait_dma2 semaphore(%run_scoped3A_101 : memref<!tpu.dma_semaphore, #tpu.memory_space<semaphore_mem>>) src(%dma_wait3A_119 : memref<640xf32, #tpu.memory_space<vmem_shared>>) dst(%dma_wait3A_117 : memref<640xf32, #tpu.memory_space<vmem>>)
      tpu.yield
    }) : () -> ()
    %scan3A_92 = arith.constant 0 : i32
    %scan3A_93 = arith.constant 0 : i32
    %scan3A_94 = arith.constant 40 : i32
    %scan3A_95 = arith.addi %scan3A_93, %scan3A_94 : i32
    %scan3A_96 = arith.constant 1 : i32
    %scan3A_97 = scf.for %scan3A_101 = %scan3A_93 to %scan3A_95 step %scan3A_96 iter_args(%scan3A_102 = %scan3A_92) -> (i32)  : i32 {
      %mul3A_103 = arith.constant 16 : i32
      %mul3A_104 = arith.muli %scan3A_101, %mul3A_103 : i32
      %get3A = arith.constant 0 : i32
      %get3A_105 = arith.index_cast %get3A : i32 to index
      %get3A_106 = arith.index_cast %mul3A_104 : i32 to index
      %get3A_107 = tpu.vector_load %arg6[%get3A_105, %get3A_106] {strides = array<i32>} : memref<16x640xf32, #tpu.memory_space<vmem>>, vector<16xf32>,
      %mul3A_108 = arith.constant 16 : i32
      %mul3A_109 = arith.muli %scan3A_101, %mul3A_108 : i32
      %get3A_110 = arith.constant 1 : i32
      %get3A_111 = arith.index_cast %get3A_110 : i32 to index
      %get3A_112 = arith.index_cast %mul3A_109 : i32 to index
      %get3A_113 = tpu.vector_load %arg6[%get3A_111, %get3A_112] {strides = array<i32>} : memref<16x640xf32, #tpu.memory_space<vmem>>, vector<16xf32>,
      %add3A_114 = arith.addf %get3A_107, %get3A_113 : vector<16xf32>
      %mul3A_115 = arith.constant 16 : i32
      %mul3A_116 = arith.muli %scan3A_101, %mul3A_115 : i32
      %get3A_117 = arith.constant 2 : i32
      %get3A_118 = arith.index_cast %get3A_117 : i32 to index
      %get3A_119 = arith.index_cast %mul3A_116 : i32 to index
      %get3A_120 = tpu.vector_load %arg6[%get3A_118, %get3A_119] {strides = array<i32>} : memref<16x640xf32, #tpu.memory_space<vmem>>, vector<16xf32>,
      %add3A_121 = arith.addf %add3A_114, %get3A_120 : vector<16xf32>
      %mul3A_122 = arith.constant 16 : i32
      %mul3A_123 = arith.muli %scan3A_101, %mul3A_122 : i32
      %get3A_124 = arith.constant 3 : i32
      %get3A_125 = arith.index_cast %get3A_124 : i32 to index
      %get3A_126 = arith.index_cast %mul3A_123 : i32 to index
      %get3A_127 = tpu.vector_load %arg6[%get3A_125, %get3A_126] {strides = array<i32>} : memref<16x640xf32, #tpu.memory_space<vmem>>, vector<16xf32>,
      %add3A_128 = arith.addf %add3A_121, %get3A_127 : vector<16xf32>
      %mul3A_129 = arith.constant 16 : i32
      %mul3A_130 = arith.muli %scan3A_101, %mul3A_129 : i32
      %get3A_131 = arith.constant 4 : i32
      %get3A_132 = arith.index_cast %get3A_131 : i32 to index
      %get3A_133 = arith.index_cast %mul3A_130 : i32 to index
      %get3A_134 = tpu.vector_load %arg6[%get3A_132, %get3A_133] {strides = array<i32>} : memref<16x640xf32, #tpu.memory_space<vmem>>, vector<16xf32>,
      %add3A_135 = arith.addf %add3A_128, %get3A_134 : vector<16xf32>
      %mul3A_136 = arith.constant 16 : i32
      %mul3A_137 = arith.muli %scan3A_101, %mul3A_136 : i32
      %get3A_138 = arith.constant 5 : i32
      %get3A_139 = arith.index_cast %get3A_138 : i32 to index
      %get3A_140 = arith.index_cast %mul3A_137 : i32 to index
      %get3A_141 = tpu.vector_load %arg6[%get3A_139, %get3A_140] {strides = array<i32>} : memref<16x640xf32, #tpu.memory_space<vmem>>, vector<16xf32>,
      %add3A_142 = arith.addf %add3A_135, %get3A_141 : vector<16xf32>
      %mul3A_143 = arith.constant 16 : i32
      %mul3A_144 = arith.muli %scan3A_101, %mul3A_143 : i32
      %get3A_145 = arith.constant 6 : i32
      %get3A_146 = arith.index_cast %get3A_145 : i32 to index
      %get3A_147 = arith.index_cast %mul3A_144 : i32 to index
      %get3A_148 = tpu.vector_load %arg6[%get3A_146, %get3A_147] {strides = array<i32>} : memref<16x640xf32, #tpu.memory_space<vmem>>, vector<16xf32>,
      %add3A_149 = arith.addf %add3A_142, %get3A_148 : vector<16xf32>
      %mul3A_150 = arith.constant 16 : i32
      %mul3A_151 = arith.muli %scan3A_101, %mul3A_150 : i32
      %get3A_152 = arith.constant 7 : i32
      %get3A_153 = arith.index_cast %get3A_152 : i32 to index
      %get3A_154 = arith.index_cast %mul3A_151 : i32 to index
      %get3A_155 = tpu.vector_load %arg6[%get3A_153, %get3A_154] {strides = array<i32>} : memref<16x640xf32, #tpu.memory_space<vmem>>, vector<16xf32>,
      %add3A_156 = arith.addf %add3A_149, %get3A_155 : vector<16xf32>
      %mul3A_157 = arith.constant 16 : i32
      %mul3A_158 = arith.muli %scan3A_101, %mul3A_157 : i32
      %get3A_159 = arith.constant 8 : i32
      %get3A_160 = arith.index_cast %get3A_159 : i32 to index
      %get3A_161 = arith.index_cast %mul3A_158 : i32 to index
      %get3A_162 = tpu.vector_load %arg6[%get3A_160, %get3A_161] {strides = array<i32>} : memref<16x640xf32, #tpu.memory_space<vmem>>, vector<16xf32>,
      %add3A_163 = arith.addf %add3A_156, %get3A_162 : vector<16xf32>
      %mul3A_164 = arith.constant 16 : i32
      %mul3A_165 = arith.muli %scan3A_101, %mul3A_164 : i32
      %get3A_166 = arith.constant 9 : i32
      %get3A_167 = arith.index_cast %get3A_166 : i32 to index
      %get3A_168 = arith.index_cast %mul3A_165 : i32 to index
      %get3A_169 = tpu.vector_load %arg6[%get3A_167, %get3A_168] {strides = array<i32>} : memref<16x640xf32, #tpu.memory_space<vmem>>, vector<16xf32>,
      %add3A_170 = arith.addf %add3A_163, %get3A_169 : vector<16xf32>
      %mul3A_171 = arith.constant 16 : i32
      %mul3A_172 = arith.muli %scan3A_101, %mul3A_171 : i32
      %get3A_173 = arith.constant 10 : i32
      %get3A_174 = arith.index_cast %get3A_173 : i32 to index
      %get3A_175 = arith.index_cast %mul3A_172 : i32 to index
      %get3A_176 = tpu.vector_load %arg6[%get3A_174, %get3A_175] {strides = array<i32>} : memref<16x640xf32, #tpu.memory_space<vmem>>, vector<16xf32>,
      %add3A_177 = arith.addf %add3A_170, %get3A_176 : vector<16xf32>
      %mul3A_178 = arith.constant 16 : i32
      %mul3A_179 = arith.muli %scan3A_101, %mul3A_178 : i32
      %get3A_180 = arith.constant 11 : i32
      %get3A_181 = arith.index_cast %get3A_180 : i32 to index
      %get3A_182 = arith.index_cast %mul3A_179 : i32 to index
      %get3A_183 = tpu.vector_load %arg6[%get3A_181, %get3A_182] {strides = array<i32>} : memref<16x640xf32, #tpu.memory_space<vmem>>, vector<16xf32>,
      %add3A_184 = arith.addf %add3A_177, %get3A_183 : vector<16xf32>
      %mul3A_185 = arith.constant 16 : i32
      %mul3A_186 = arith.muli %scan3A_101, %mul3A_185 : i32
      %get3A_187 = arith.constant 12 : i32
      %get3A_188 = arith.index_cast %get3A_187 : i32 to index
      %get3A_189 = arith.index_cast %mul3A_186 : i32 to index
      %get3A_190 = tpu.vector_load %arg6[%get3A_188, %get3A_189] {strides = array<i32>} : memref<16x640xf32, #tpu.memory_space<vmem>>, vector<16xf32>,
      %add3A_191 = arith.addf %add3A_184, %get3A_190 : vector<16xf32>
      %mul3A_192 = arith.constant 16 : i32
      %mul3A_193 = arith.muli %scan3A_101, %mul3A_192 : i32
      %get3A_194 = arith.constant 13 : i32
      %get3A_195 = arith.index_cast %get3A_194 : i32 to index
      %get3A_196 = arith.index_cast %mul3A_193 : i32 to index
      %get3A_197 = tpu.vector_load %arg6[%get3A_195, %get3A_196] {strides = array<i32>} : memref<16x640xf32, #tpu.memory_space<vmem>>, vector<16xf32>,
      %add3A_198 = arith.addf %add3A_191, %get3A_197 : vector<16xf32>
      %mul3A_199 = arith.constant 16 : i32
      %mul3A_200 = arith.muli %scan3A_101, %mul3A_199 : i32
      %get3A_201 = arith.constant 14 : i32
      %get3A_202 = arith.index_cast %get3A_201 : i32 to index
      %get3A_203 = arith.index_cast %mul3A_200 : i32 to index
      %get3A_204 = tpu.vector_load %arg6[%get3A_202, %get3A_203] {strides = array<i32>} : memref<16x640xf32, #tpu.memory_space<vmem>>, vector<16xf32>,
      %add3A_205 = arith.addf %add3A_198, %get3A_204 : vector<16xf32>
      %mul3A_206 = arith.constant 16 : i32
      %mul3A_207 = arith.muli %scan3A_101, %mul3A_206 : i32
      %get3A_208 = arith.constant 15 : i32
      %get3A_209 = arith.index_cast %get3A_208 : i32 to index
      %get3A_210 = arith.index_cast %mul3A_207 : i32 to index
      %get3A_211 = tpu.vector_load %arg6[%get3A_209, %get3A_210] {strides = array<i32>} : memref<16x640xf32, #tpu.memory_space<vmem>>, vector<16xf32>,
      %add3A_212 = arith.addf %add3A_205, %get3A_211 : vector<16xf32>
      %mul3A_213 = arith.constant 16 : i32
      %mul3A_214 = arith.muli %scan3A_101, %mul3A_213 : i32
      %swap3A = arith.index_cast %mul3A_214 : i32 to index
      %swap3A_215 = tpu.vector_load %arg7[%swap3A] {strides = array<i32>} : memref<640xf32, #tpu.memory_space<vmem>>, vector<16xf32>,
      tpu.vector_store %arg7[%swap3A], %add3A_212 {strides = array<i32>} : memref<640xf32, #tpu.memory_space<vmem>>, vector<16xf32>,
      %scan3A_216 = arith.constant 0 : i32
      scf.yield %scan3A_216 : i32
    }
    %scan3A_98 = arith.constant 40 : i32
    %mul3A_99 = arith.constant 640 : i32
    %mul3A_100 = arith.muli %arg1, %mul3A_99 : i32
    "tpu.region"() ({
      %run_scoped3A_101 = tpu.sem_alloc : memref<!tpu.dma_semaphore, #tpu.memory_space<semaphore_mem>>
      %dma_start3A = tpu.memref_slice %arg3[%arg0, %mul3A_100] : memref<2x10240xf32, #tpu.memory_space<hbm>> -> memref<1x640xf32, #tpu.memory_space<hbm>>
      %dma_start3A_102 = tpu.memref_squeeze %dma_start3A : memref<1x640xf32, #tpu.memory_space<hbm>> -> memref<640xf32, #tpu.memory_space<hbm>>
      %dma_start3A_103 = tpu.memref_slice %arg3[%arg0, %mul3A_100] : memref<2x10240xf32, #tpu.memory_space<hbm>> -> memref<1x640xf32, #tpu.memory_space<hbm>>
      %dma_start3A_104 = tpu.memref_squeeze %dma_start3A_103 : memref<1x640xf32, #tpu.memory_space<hbm>> -> memref<640xf32, #tpu.memory_space<hbm>>
      tpu.enqueue_dma source(%arg7 : memref<640xf32, #tpu.memory_space<vmem>>) target(%dma_start3A_104 : memref<640xf32, #tpu.memory_space<hbm>>) target_semaphore(%run_scoped3A_101 : memref<!tpu.dma_semaphore, #tpu.memory_space<semaphore_mem>>)
      %dma_wait3A = tpu.memref_slice %arg3[%arg0, %mul3A_100] : memref<2x10240xf32, #tpu.memory_space<hbm>> -> memref<1x640xf32, #tpu.memory_space<hbm>>
      %dma_wait3A_105 = tpu.memref_squeeze %dma_wait3A : memref<1x640xf32, #tpu.memory_space<hbm>> -> memref<640xf32, #tpu.memory_space<hbm>>
      %dma_wait3A_106 = tpu.memref_slice %arg3[%arg0, %mul3A_100] : memref<2x10240xf32, #tpu.memory_space<hbm>> -> memref<1x640xf32, #tpu.memory_space<hbm>>
      %dma_wait3A_107 = tpu.memref_squeeze %dma_wait3A_106 : memref<1x640xf32, #tpu.memory_space<hbm>> -> memref<640xf32, #tpu.memory_space<hbm>>
      tpu.wait_dma2 semaphore(%run_scoped3A_101 : memref<!tpu.dma_semaphore, #tpu.memory_space<semaphore_mem>>) src(%arg7 : memref<640xf32, #tpu.memory_space<vmem>>) dst(%dma_wait3A_107 : memref<640xf32, #tpu.memory_space<hbm>>)
      tpu.yield
    }) : () -> ()
    return
  }
}

module attributes {stable_mosaic.version = 14 : i64} {
  func.func @_tc_matmul_body(%arg0: i32, %arg1: memref<2000x128xf32, #tpu.memory_space<vmem>>, %arg2: memref<128x128xf32, #tpu.memory_space<vmem>>, %arg3: memref<2000x128xf32, #tpu.memory_space<vmem>>) attributes {dimension_semantics = [#tpu.dimension_semantics<arbitrary>], iteration_bounds = array<i64: 5>, scalar_prefetch = 0 : i64, scratch_operands = 0 : i64, tpu.core_type = #tpu.core_type<tc>, window_params = [{transform_indices = @transform_0, window_bounds = array<i64: 2000, 128>}, {pipeline_mode = #tpu.pipeline_mode<synchronous>, transform_indices = @transform_1, window_bounds = array<i64: 128, 128>}, {transform_indices = @transform_2, window_bounds = array<i64: 2000, 128>}]} {
    %get3A = arith.constant 0 : index
    %get3A_0 = arith.constant 0 : index
    %get3A_1 = vector.load %arg1[%get3A, %get3A_0] : memref<2000x128xf32, #tpu.memory_space<vmem>>, vector<2000x128xf32>
    %get3A_2 = arith.constant 0 : index
    %get3A_3 = arith.constant 0 : index
    %get3A_4 = vector.load %arg2[%get3A_2, %get3A_3] : memref<128x128xf32, #tpu.memory_space<vmem>>, vector<128x128xf32>
    %dot_general3A = arith.constant dense<0.000000e+00> : vector<2000x128xf32>
    %dot_general3A_5 = tpu.matmul %get3A_1, %get3A_4, %dot_general3A {dimension_numbers = #tpu.dot_dimension_numbers<[1], [0], [0], [1], [0, 0, 1, 1], [], []>, transpose_lhs_hint = false} : vector<2000x128xf32>, vector<128x128xf32>, vector<2000x128xf32> -> vector<2000x128xf32>
    %swap3A = arith.constant 0 : index
    %swap3A_6 = arith.constant 0 : index
    %swap3A_7 = vector.load %arg3[%swap3A, %swap3A_6] : memref<2000x128xf32, #tpu.memory_space<vmem>>, vector<2000x128xf32>
    tpu.vector_store %arg3[%swap3A, %swap3A_6], %dot_general3A_5 {strides = array<i32>} : memref<2000x128xf32, #tpu.memory_space<vmem>>, vector<2000x128xf32>,
    return
  }
  func.func @transform_0(%arg0: i32) -> (i32, i32) {
    %c0_i32 = arith.constant 0 : i32
    %c0_i32_0 = arith.constant 0 : i32
    return %arg0, %c0_i32 : i32, i32
  }
  func.func @transform_1(%arg0: i32) -> (i32, i32) {
    %c0_i32 = arith.constant 0 : i32
    %c0_i32_0 = arith.constant 0 : i32
    %c0_i32_1 = arith.constant 0 : i32
    return %c0_i32, %c0_i32_0 : i32, i32
  }
  func.func @transform_2(%arg0: i32) -> (i32, i32) {
    %c0_i32 = arith.constant 0 : i32
    %c0_i32_0 = arith.constant 0 : i32
    return %arg0, %c0_i32 : i32, i32
  }
}

module attributes {stable_mosaic.version = 14 : i64} {
  func.func @_tc_scale_body(%arg0: i32, %arg1: memref<2000x128xf32, #tpu.memory_space<vmem>>, %arg2: memref<2000x1xf32, #tpu.memory_space<vmem>>, %arg3: memref<2000x128xf32, #tpu.memory_space<vmem>>) attributes {dimension_semantics = [#tpu.dimension_semantics<arbitrary>], iteration_bounds = array<i64: 5>, scalar_prefetch = 0 : i64, scratch_operands = 0 : i64, tpu.core_type = #tpu.core_type<tc>, window_params = [{transform_indices = @transform_0, window_bounds = array<i64: 2000, 128>}, {transform_indices = @transform_1, window_bounds = array<i64: 2000, 1>}, {transform_indices = @transform_2, window_bounds = array<i64: 2000, 128>}]} {
    %get3A = arith.constant 0 : index
    %get3A_0 = arith.constant 0 : index
    %get3A_1 = vector.load %arg1[%get3A, %get3A_0] : memref<2000x128xf32, #tpu.memory_space<vmem>>, vector<2000x128xf32>
    %get3A_2 = arith.constant 0 : index
    %get3A_3 = arith.constant 0 : index
    %get3A_4 = vector.load %arg2[%get3A_2, %get3A_3] : memref<2000x1xf32, #tpu.memory_space<vmem>>, vector<2000x1xf32>
    %max3A = arith.constant 1.000000e+00 : f32
    %max3A_5 = vector.broadcast %max3A : f32 to vector<2000x1xf32>
    %max3A_6 = arith.maximumf %get3A_4, %max3A_5 : vector<2000x1xf32>
    %rsqrt3A = math.rsqrt %max3A_6 : vector<2000x1xf32>
    %mul3A = vector.broadcast %rsqrt3A : vector<2000x1xf32> to vector<2000x128xf32>
    %mul3A_7 = arith.mulf %get3A_1, %mul3A : vector<2000x128xf32>
    %swap3A = arith.constant 0 : index
    %swap3A_8 = arith.constant 0 : index
    %swap3A_9 = vector.load %arg3[%swap3A, %swap3A_8] : memref<2000x128xf32, #tpu.memory_space<vmem>>, vector<2000x128xf32>
    tpu.vector_store %arg3[%swap3A, %swap3A_8], %mul3A_7 {strides = array<i32>} : memref<2000x128xf32, #tpu.memory_space<vmem>>, vector<2000x128xf32>,
    return
  }
  func.func @transform_0(%arg0: i32) -> (i32, i32) {
    %c0_i32 = arith.constant 0 : i32
    %c0_i32_0 = arith.constant 0 : i32
    return %arg0, %c0_i32 : i32, i32
  }
  func.func @transform_1(%arg0: i32) -> (i32, i32) {
    %c0_i32 = arith.constant 0 : i32
    %c0_i32_0 = arith.constant 0 : i32
    return %arg0, %c0_i32 : i32, i32
  }
  func.func @transform_2(%arg0: i32) -> (i32, i32) {
    %c0_i32 = arith.constant 0 : i32
    %c0_i32_0 = arith.constant 0 : i32
    return %arg0, %c0_i32 : i32, i32
  }
}

module attributes {stable_mosaic.version = 14 : i64} {
  func.func @_tc_combine_body(%arg0: i32, %arg1: memref<2x1000x128xf32, #tpu.memory_space<vmem>>, %arg2: memref<1000x1xf32, #tpu.memory_space<vmem>>, %arg3: memref<1x128xf32, #tpu.memory_space<vmem>>, %arg4: memref<1000x128xf32, #tpu.memory_space<vmem>>) attributes {dimension_semantics = [#tpu.dimension_semantics<arbitrary>], iteration_bounds = array<i64: 10>, scalar_prefetch = 0 : i64, scratch_operands = 0 : i64, tpu.core_type = #tpu.core_type<tc>, window_params = [{transform_indices = @transform_0, window_bounds = array<i64: 2, 1000, 128>}, {transform_indices = @transform_1, window_bounds = array<i64: 1000, 1>}, {pipeline_mode = #tpu.pipeline_mode<synchronous>, transform_indices = @transform_2, window_bounds = array<i64: 1, 128>}, {transform_indices = @transform_3, window_bounds = array<i64: 1000, 128>}]} {
    %get3A = arith.constant 0 : index
    %get3A_0 = arith.constant 0 : index
    %get3A_1 = vector.load %arg2[%get3A, %get3A_0] : memref<1000x1xf32, #tpu.memory_space<vmem>>, vector<1000x1xf32>
    %max3A = arith.constant 1.000000e+00 : f32
    %max3A_2 = vector.broadcast %max3A : f32 to vector<1000x1xf32>
    %max3A_3 = arith.maximumf %get3A_1, %max3A_2 : vector<1000x1xf32>
    %rsqrt3A = math.rsqrt %max3A_3 : vector<1000x1xf32>
    %get3A_4 = arith.constant 0 : index
    %get3A_5 = arith.constant 0 : index
    %get3A_6 = arith.constant 0 : index
    %get3A_7 = vector.load %arg1[%get3A_4, %get3A_5, %get3A_6] : memref<2x1000x128xf32, #tpu.memory_space<vmem>>, vector<1x1000x128xf32>
    %get3A_8 = vector.shape_cast %get3A_7 : vector<1x1000x128xf32> to vector<1000x128xf32>
    %get3A_9 = arith.constant 1 : index
    %get3A_10 = arith.constant 0 : index
    %get3A_11 = arith.constant 0 : index
    %get3A_12 = vector.load %arg1[%get3A_9, %get3A_10, %get3A_11] : memref<2x1000x128xf32, #tpu.memory_space<vmem>>, vector<1x1000x128xf32>
    %get3A_13 = vector.shape_cast %get3A_12 : vector<1x1000x128xf32> to vector<1000x128xf32>
    %add3A = arith.addf %get3A_8, %get3A_13 : vector<1000x128xf32>
    %mul3A = vector.broadcast %rsqrt3A : vector<1000x1xf32> to vector<1000x128xf32>
    %mul3A_14 = arith.mulf %add3A, %mul3A : vector<1000x128xf32>
    %get3A_15 = arith.constant 0 : index
    %get3A_16 = arith.constant 0 : index
    %get3A_17 = vector.load %arg3[%get3A_15, %get3A_16] : memref<1x128xf32, #tpu.memory_space<vmem>>, vector<1x128xf32>
    %add3A_18 = vector.broadcast %get3A_17 : vector<1x128xf32> to vector<1000x128xf32>
    %add3A_19 = arith.addf %mul3A_14, %add3A_18 : vector<1000x128xf32>
    %swap3A = arith.constant 0 : index
    %swap3A_20 = arith.constant 0 : index
    %swap3A_21 = vector.load %arg4[%swap3A, %swap3A_20] : memref<1000x128xf32, #tpu.memory_space<vmem>>, vector<1000x128xf32>
    tpu.vector_store %arg4[%swap3A, %swap3A_20], %add3A_19 {strides = array<i32>} : memref<1000x128xf32, #tpu.memory_space<vmem>>, vector<1000x128xf32>,
    return
  }
  func.func @transform_0(%arg0: i32) -> (i32, i32, i32) {
    %c0_i32 = arith.constant 0 : i32
    %c0_i32_0 = arith.constant 0 : i32
    %c0_i32_1 = arith.constant 0 : i32
    return %c0_i32, %arg0, %c0_i32_0 : i32, i32, i32
  }
  func.func @transform_1(%arg0: i32) -> (i32, i32) {
    %c0_i32 = arith.constant 0 : i32
    %c0_i32_0 = arith.constant 0 : i32
    return %arg0, %c0_i32 : i32, i32
  }
  func.func @transform_2(%arg0: i32) -> (i32, i32) {
    %c0_i32 = arith.constant 0 : i32
    %c0_i32_0 = arith.constant 0 : i32
    %c0_i32_1 = arith.constant 0 : i32
    return %c0_i32, %c0_i32_0 : i32, i32
  }
  func.func @transform_3(%arg0: i32) -> (i32, i32) {
    %c0_i32 = arith.constant 0 : i32
    %c0_i32_0 = arith.constant 0 : i32
    return %arg0, %c0_i32 : i32, i32
  }
}

</mosaic_0001>

<sc_bundles>
// kernel: kernel.10.cloned.1.call-start
scs
__scs_entry_jumppad:
0x0: {  	(pc) =	sbr.rel $0x88, $3  }
0x1: {  	(tag) =	ssettag $0x0;
	lr =	simm.s32 $0x1  }
0x2: {  	[smem:$0x3F9D] =	sst lr;
	_ =	strace $0xD0000000  }
0x3: {  	_ = 	snop  }
0x4: {  	_ = 	snop  }
0x5: {  	_ = 	snop  }
0x6: {  	_ = 	snop  }
0x7: {  	_ = 	snop  }
__scs_overlays_trampoline_lowered:
0x8: {  	[smem:$0x3FAC] =	sst s0  }
0x9: {  	[smem:$0x3FAD] =	sst s1  }
0xa: {  	[smem:$0x3FAE] =	sst s2  }
0xb: {  	[smem:$0x3FAF] =	sst s3  }
0xc: {  	[smem:$0x3FB0] =	sst s4  }
0xd: {  	[smem:$0x3FB1] =	sst s5  }
0xe: {  	[smem:$0x3FB2] =	sst s6  }
0xf: {  	[smem:$0x3FB3] =	sst s7  }
0x10: {  	[smem:$0x3FB4] =	sst s8  }
0x11: {  	[smem:$0x3FB5] =	sst s9;
	s0 =	simm.s32 @!p0 $0x0  }
0x12: {  	s1 =	sld [smem:$0x3F9B];
	s0 =	simm.s32 @p0 $0x1  }
0x13: {  	[smem:$0x3FB6] =	sst s0;
	s0 =	simm.s32 @!p1 $0x0  }
0x14: {  	s2 =	sld [smem:$0x3F9A];
	s0 =	simm.s32 @p1 $0x1  }
0x15: {  	[smem:$0x3FB7] =	sst s0;
	s0 =	simm.s32 @!p2 $0x0  }
0x16: {  	s3 =	sld [smem:$0x3FDB];
	s0 =	simm.s32 @p2 $0x1  }
0x17: {  	s4 =	simm.s32 $0x1BF5;
	[smem:$0x3FB9] =	sst s0  }
0x18: {  	s0 =	sld [smem:$0x3F9C];
	_ =	swait.ge [sflag:s4], $0x0  }
0x19: {  	s7 =	sld [smem:$0x3F9D]  }
0x1a: {  	s8 =	sadd.s32 $0xFFFFE003, lr  }
0x1b: {  	s9 =	sadd.s32 $0xFFFFFEF7, lr;
	s5 =	simm.s32 $0xFFFFFFFF;
	p2 =	slt.u32 s8, $0xFFFFF086  }
0x1c: {  	p1 =	slt.u32 s9, $0xF7A;
	s5 =	simm.s32 @!p2 $0x0  }
0x1d: {  	s5 =	simm.s32 @p1 $0x1;
	p0 =	seq.s32 s7, s2  }
0x1e: {  	s7 =	smul.u32 @!p0 $0xF7A, s2;
	p2 =	seq.s32 @!p0 s5, $0x0  }
0x1f: {  	s9 =	smul.u32 $0xF7A, s1;
	s8 =	simm.s32 @!p0 $0x1BF5;
	p2 =	por !p2, p0  }
0x20: {  	[sflag:s8] =	ssyncset.s32 @!p0 $0xFFFFF086;
	s6 =	sadd.s32 @!p0 s3, s7;
	s7 =	simm.s32 @!p0 $0x108  }
0x21: {  	s3 =	sadd.s32 s3, s9;
	s6 =	sadd.s32 @!p0 $0x88, s6;
	s7 =	simm.s32 @p2 $0x1082  }
0x22: {  	[simem:s7], [sflag:s8] =	dma.local @!p0 [hbm:s6], $0xF7A  }
0x23: {  	s9 =	sor.u32 $0xD0000000, s2;
	s6 =	simm.s32 $0x108;
	_ =	swait.ge @!p0 [sflag:s8], $0x0  }
0x24: {  	s3 =	sadd.s32 $0x88, s3;
	s6 =	simm.s32 @!p1 $0x1082;
	[sflag:s4] =	ssyncset.s32 $0xFFFFF086  }
0x25: {  	[simem:s6], [sflag:s4] =	dma.local [hbm:s3], $0xF7A  }
0x26: {  	[smem:$0x3F9D] =	sst s1;
	(tag) =	ssettag s2;
	_ =	strace s9  }
0x27: {  	s1 =	sld [smem:$0x3FAD]  }
0x28: {  	s2 =	sld [smem:$0x3FAE]  }
0x29: {  	s4 =	sld [smem:$0x3FB0]  }
0x2a: {  	p0 =	seq.s32 s5, $0x0;
	s5 =	sld [smem:$0x3FB1]  }
0x2b: {  	s6 =	sld [smem:$0x3FB2]  }
0x2c: {  	s7 =	sld [smem:$0x3FB3]  }
0x2d: {  	s3 =	simm.s32 $0x108;
	s8 =	sld [smem:$0x3FB4]  }
0x2e: {  	s3 =	simm.s32 @!p0 $0x1082;
	s9 =	sld [smem:$0x3FB5]  }
0x2f: {  	lr =	sadd.s32 s0, s3;
	s0 =	sld [smem:$0x3FAC]  }
0x30: {  	s3 =	sld [smem:$0x3FAF]  }
0x31: {  	[smem:$0x3FB8] =	sst s10  }
0x32: {  	s10 =	sld [smem:$0x3FB6];
	_ =	sdelay $0x3  }
0x33: {  	p0 =	seq.s32 s10, $0x1;
	s10 =	sld [smem:$0x3FB8];
	_ =	sdelay $0x3  }
0x34: {  	[smem:$0x3FB8] =	sst s10  }
0x35: {  	s10 =	sld [smem:$0x3FB7];
	_ =	sdelay $0x3  }
0x36: {  	p1 =	seq.s32 s10, $0x1;
	s10 =	sld [smem:$0x3FB8];
	_ =	sdelay $0x3  }
0x37: {  	[smem:$0x3FB8] =	sst s10  }
0x38: {  	s10 =	sld [smem:$0x3FB9]  }
0x39: {  	_ = 	snop;
	(pc) =	sbr.ind lr, $3  }
0x3a: {  	_ = 	snop  }
0x3b: {  	_ = 	snop  }
0x3c: {  	p2 =	seq.s32 s10, $0x1;
	s10 =	sld [smem:$0x3FB8]  }
0x3d: {  	_ =	shalt  }
0x3e: {  	_ =	shalt  }
0x3f: {  	_ =	shalt  }
0x40: {  	_ =	shalt  }
0x41: {  	_ =	shalt  }
0x42: {  	_ =	shalt  }
0x43: {  	_ =	shalt  }
0x44: {  	_ =	shalt  }
0x45: {  	_ =	shalt  }
0x46: {  	_ =	shalt  }
0x47: {  	_ =	shalt  }
0x48: {  	_ =	shalt  }
0x49: {  	_ =	shalt  }
0x4a: {  	_ =	shalt  }
0x4b: {  	_ =	shalt  }
0x4c: {  	_ =	shalt  }
0x4d: {  	_ =	shalt  }
0x4e: {  	_ =	shalt  }
0x4f: {  	_ =	shalt  }
0x50: {  	_ =	shalt  }
0x51: {  	_ =	shalt  }
0x52: {  	_ =	shalt  }
0x53: {  	_ =	shalt  }
0x54: {  	_ =	shalt  }
0x55: {  	_ =	shalt  }
0x56: {  	_ =	shalt  }
0x57: {  	_ =	shalt  }
0x58: {  	_ =	shalt  }
0x59: {  	_ =	shalt  }
0x5a: {  	_ =	shalt  }
0x5b: {  	_ =	shalt  }
0x5c: {  	_ =	shalt  }
0x5d: {  	_ =	shalt  }
0x5e: {  	_ =	shalt  }
0x5f: {  	_ =	shalt  }
0x60: {  	_ =	shalt  }
0x61: {  	_ =	shalt  }
0x62: {  	_ =	shalt  }
0x63: {  	_ =	shalt  }
0x64: {  	_ =	shalt  }
0x65: {  	_ =	shalt  }
0x66: {  	_ =	shalt  }
0x67: {  	_ =	shalt  }
0x68: {  	_ =	shalt  }
0x69: {  	_ =	shalt  }
0x6a: {  	_ =	shalt  }
0x6b: {  	_ =	shalt  }
0x6c: {  	_ =	shalt  }
0x6d: {  	_ =	shalt  }
0x6e: {  	_ =	shalt  }
0x6f: {  	_ =	shalt  }
0x70: {  	_ =	shalt  }
0x71: {  	_ =	shalt  }
0x72: {  	_ =	shalt  }
0x73: {  	_ =	shalt  }
0x74: {  	_ =	shalt  }
0x75: {  	_ =	shalt  }
0x76: {  	_ =	shalt  }
0x77: {  	_ =	shalt  }
0x78: {  	_ =	shalt  }
0x79: {  	_ =	shalt  }
0x7a: {  	_ =	shalt  }
0x7b: {  	_ =	shalt  }
0x7c: {  	_ =	shalt  }
0x7d: {  	_ =	shalt  }
0x7e: {  	_ =	shalt  }
0x7f: {  	_ =	shalt  }
0x80: {  	_ =	shalt  }
0x81: {  	_ =	shalt  }
0x82: {  	_ =	shalt  }
0x83: {  	_ =	shalt  }
0x84: {  	_ =	shalt  }
0x85: {  	_ =	shalt  }
0x86: {  	_ =	shalt  }
0x87: {  	_ =	shalt  }
.Lfunc_end0:
.L_simem_size_0:
called_computation.1_lowered:
.L_overlay_start_0:
0x88: {  	s2 =	sld [smem:$0x3FD9]  }
0x89: {  	s3 =	sld [smem:$0x3FFE];
	_ =	sdelay $0x1  }
0x8a: {  	s1 =	srdreg.scid  }
0x8b: {  	s0 =	sand.u32 $0x1, s1  }
0x8c: {  	s17 =	sshll.u32 s0, $0xA;
	s2 =	sadd.s32 s3, s2  }
0x8d: {  	s2 =	sadd.s32 s2, s17  }
0x8e: {  	[smem:$0x3FC4] =	sst s2  }
0x8f: {  	_ = 	snop  }
0x90: {  	s2 =	sld [smem:$0x3FD0];
	(tm) =	ssettm $0x1  }
0x91: {  	s18 =	sld [smem:$0x3FFB];
	_ =	sdelay $0x3  }
0x92: {  	_ =	strace s18  }
0x93: {  	s3 =	sld [smem:$0x3FFC];
	_ =	sdelay $0x3  }
0x94: {  	_ =	strace s3  }
0x95: {  	s3 =	sld [smem:$0x3FFD];
	_ =	sdelay $0x3  }
0x96: {  	_ =	strace s3  }
0x97: {  	_ =	strace $0x8FFFFFFF  }
0x98: {  	s19 =	sld [smem:$0x3FDB];
	_ =	sdelay $0x1  }
0x99: {  	s4 =	simm.s32 $_scs_section_size  }
0x9a: {  	s5 =	simm.s32 $_size__tile_overlayer_lowered;
	s6 =	simm.s32 $_tile_overlayer_lowered  }
0x9b: {  	s22 =	simm.s32 $0x1BFF;
	s21 =	sshll.u32 s6, $0x1;
	s3 =	sadd.s32 s4, s19  }
0x9c: {  	s7 =	simm.s32 $0x0;
	s20 =	sshll.u32 s5, $0x1;
	s5 =	sadd.s32 s21, s3  }
0x9d: {  	[timem:s7], [sflag:s22] =	dma.local [hbm:s5], s20  }
0x9e: {  	_ =	swait.ge [sflag:s22], s20  }
0x9f: {  	s4 =	ssub.s32 $0x0, s20;
	[sflag:s22] =	ssyncset.done $0x0  }
0xa0: {  	[sflag:s22] =	ssyncadd.s32 s4;
	_ =	sdelay $0x1  }
0xa1: {  	s23 =	simm.s32 $0x1B8B  }
0xa2: {  	_ =	swait.ge [sflag:s23], $0x1  }
0xa3: {  	[sflag:s23] =	ssyncset.done $0x0  }
0xa4: {  	s25 =	simm.s32 $0x1B8E;
	s24 =	sld [smem:$0x3FFE];
	[sflag:s23] =	ssyncadd.s32 $0xFFFFFFFF  }
0xa5: {  	s26 =	simm.s32 $execute0_lowered;
	[smem:$0x3FD2] =	sst s25  }
0xa6: {  	s5 =	sshll.u32 s26, $0x1;
	_ =	strace $0x80000049;
	[dreg:$0x1] =	wrdreg $0xFFFFFFFF  }
0xa7: {  	s28 =	simm.s32 $_size_execute0_lowered;
	s3 =	sadd.s32 s3, s5;
	[dreg:$0x0] =	wrdreg $0x0  }
0xa8: {  	s5 =	sshll.u32 s28, $0x1;
	[dreg:$0x2] =	wrdreg s3  }
0xa9: {  	[dreg:$0x3] =	wrdreg s5  }
0xaa: {  	[dreg:$0x4] =	wrdreg $0xC0  }
0xab: {  	_ =	task [dreg:s7], $0x5FFFF  }
0xac: {  	[dreg:$0x1] =	wrdreg $0xFFFFFFFF  }
0xad: {  	[dreg:$0x0] =	wrdreg $0x60  }
0xae: {  	[dreg:$0x2] =	wrdreg s24  }
0xaf: {  	[dreg:$0x3] =	wrdreg s2  }
0xb0: {  	[dreg:$0x4] =	wrdreg $0x90000  }
0xb1: {  	[dreg:$0x5] =	wrdreg $0x9  }
0xb2: {  	_ =	task.clear_ibuf [dreg:s7], $0x6FFFF;
	_ =	strace $0x90000049  }
0xb3: {  	s29 =	simm.s32 $0x9;
	_ =	strace $0x8000004B  }
0xb4: {  	_ =	swait.ge [sflag:s29], $0x1  }
0xb5: {  	[sflag:s29] =	ssyncadd.s32 $0xFFFFFFFF  }
0xb6: {  	_ =	strace $0x9000004B  }
0xb7: {  	_ =	sfence  }
0xb8: {  	s30 =	sld [smem:$0x0];
	_ =	sdelay $0x2  }
0xb9: {  	s31 =	sshll.u32 s1, $0xD;
	s1 =	sshrl.u32 s1, $0x2  }
0xba: {  	s3 =	sand.u32 $0x4000, s31;
	s1 =	sadd.s32 s1, s30  }
0xbb: {  	s0 =	sor.u32 s3, s0;
	s1 =	sshll.u32 s1, $0x11  }
0xbc: {  	s0 =	sor.u32 s1, s0  }
0xbd: {  	s0 =	sadd.s32 $0x8F2B, s0  }
0xbe: {  	[sflag:s0] =	ssyncadd.remote.s32 $0x1  }
0xbf: {  	_ =	sfence.sel $0xFFFF  }
0xc0: {  	[dreg:$0x0] =	wrdreg $0xFFFFFFFF;
	(pc) =	sbr.abs _section_cstart, $3  }
0xc1: {  	[dreg:$0x1] =	wrdreg $0xFFFFFFFF  }
0xc2: {  	_ =	task.clear_ibuf [dreg:s7], $0x2FFFF;
	_ =	strace $0x9FFFFFFF  }
0xc3: {  	(tm) =	ssettm $0x7FFFFFFF  }
tec
execute0_lowered:
.L_overlay_start_1:
0x0: {  	(tag) =	ssettag $0x1  }
0x1: {  	s5 =	rddreg [dreg:$0x0]  }
0x2: {  	s6 =	rddreg [dreg:$0x1]  }
0x3: {  	s2 =	rddreg [dreg:$0x2];
	s1 =	srdreg.scid  }
0x4: {  	s0 =	rddreg [dreg:$0x3];
	s3 =	simm.s32 $0x0;
	s14 =	simm.s32 $0x2  }
0x5: {  	s15 =	simm.s32 $0x2800;
	s16 =	simm.s32 $0x5000;
	s17 =	simm.s32 $0x80  }
0x6: {  	s18 =	simm.s32 $0x1;
	s7 =	sand.u32 $0x1, s1;
	s1 =	stileid.u32  }
0x7: {  	s21 =	simm.s32 $0x0;
	[smem:$0x7FF] =	sst s3;
	s4 =	smul.u32 $0x140000, s7  }
0x8: {  	s8 =	smul.u32 $0x14000, s1;
	s9 =	sshll.u32 s7, $0x4;
	_ =	strace $0x8000004A  }
0x9: {  	s10 =	smul.u32 $0x50000, s1;
	s7 =	ssub.s32 $0x2, s7;
	s19 =	sshll.u32 s1, $0x6  }
0xa: {  	s9 =	sor.u32 s1, s9;
	s30 =	sshrl.u32 s7, $0x1;
	s19 =	sor.u32 $0x1C02, s19  }
0xb: {  	s8 =	sadd.s32 s8, s4;
	s9 =	smul.u32 $0x2800, s9;
	s4 =	sadd.s32 $0x2400, s5  }
0xc: {  	s31 =	sshrl.u32 s10, $0x2;
	s13 =	ssub.s32 s7, s30;
	s8 =	sshrl.u32 s8, $0x3  }
0xd: {  	s7 =	sadd.s32 s31, s2;
	s13 =	smax.u32 s13, $0x1;
	s12 =	sadd.s32 s8, s5  }
0xe: {  	s29 =	sshrl.u32 s9, $0x3;
	s8 =	sadd.s32 $0x4000, s7;
	s9 =	sadd.s32 $0x8000, s7  }
0xf: {  	s10 =	sadd.s32 $0xC000, s7;
	s11 =	sadd.s32 $0x10000, s7;
	s5 =	sadd.s32 s6, s29  }
0x10: {  	v0 =	vimm.f32 $0.0e+00;
	s20 =	sshrl.u32 s7, $0x3;
	s12 =	sadd.s32 $0x2A400, s12;
	s6 =	sadd.s32 $0xA000, s5  }
.LBB2_1:
0x11: {  	[tilespmem:s3], [sflag:$0x2] =	stream.linear.gather [hbm4b:s5+s3], $0x2780, $0x38;
	[tilespmem:$0x1D000] =	vst v63  }
0x12: {  	_ =	swait.ge [sflag:s14], $0x2780  }
0x13: {  	[sflag:s14] =	ssyncset.done $0x0  }
0x14: {  	[sflag:s14] =	ssyncadd.s32 $0xFFFFD880  }
0x15: {  	[tilespmem:s15], [sflag:$0x2] =	stream.linear.gather [hbm4b:s6+s3], $0x2780, $0x38;
	[tilespmem:$0x1D000] =	vst v63  }
0x16: {  	_ =	swait.ge [sflag:s14], $0x2780  }
0x17: {  	[sflag:s14] =	ssyncset.done $0x0  }
0x18: {  	s22 =	simm.s32 $0x0;
	s23 =	simm.s32 $0x200;
	[sflag:s14] =	ssyncadd.s32 $0xFFFFD880  }
.LBB2_2:
0x19: {  	p0 =	sne.s32 s23, $0xFE00;
	[tilespmem:s22+$0x5070] =	vst v0  }
0x1a: {  	[tilespmem:s22+$0x5000] =	vst v0  }
0x1b: {  	[tilespmem:s22+$0x5010] =	vst v0  }
.Ltmp0:
0x1c: {  	[tilespmem:s22+$0x5020] =	vst v0;
	(pc) =	sbr.rel @p0 .LBB2_2-.Ltmp0, $4  }
0x1d: {  	[tilespmem:s22+$0x5030] =	vst v0  }
0x1e: {  	[tilespmem:s22+$0x5040] =	vst v0  }
0x1f: {  	[tilespmem:s22+$0x5050] =	vst v0  }
0x20: {  	[tilespmem:s22+$0x5060] =	vst v0;
	s22 =	sshra.s32 s23, $0x2;
	s23 =	sadd.s32 $0x200, s23  }
0x21: {  	[tilespmem:s22+$0x5070] =	vst v0  }
0x22: {  	[tilespmem:s22+$0x5000] =	vst v0  }
0x23: {  	[tilespmem:s22+$0x5010] =	vst v0  }
0x24: {  	[tilespmem:s22+$0x5020] =	vst v0  }
0x25: {  	[tilespmem:s22+$0x5030] =	vst v0  }
0x26: {  	[tilespmem:s22+$0x5040] =	vst v0  }
0x27: {  	[tilespmem:s22+$0x5050] =	vst v0  }
0x28: {  	[tilespmem:s22+$0x5060] =	vst v0  }
0x29: {  	[spmem:s7] =	stream.linear.scatter [tilespmem:s16], [sflag:$0x2], $0x4000, $0x38;
	[tilespmem:$0x1D000] =	vst v63  }
0x2a: {  	_ =	swait.ge [sflag:s14], $0x4000  }
0x2b: {  	[sflag:s14] =	ssyncset.done $0x0  }
0x2c: {  	[sflag:s14] =	ssyncadd.s32 $0xFFFFC000  }
0x2d: {  	[spmem:s8] =	stream.linear.scatter [tilespmem:s16], [sflag:$0x2], $0x4000, $0x38;
	[tilespmem:$0x1D000] =	vst v63  }
0x2e: {  	_ =	swait.ge [sflag:s14], $0x4000  }
0x2f: {  	[sflag:s14] =	ssyncset.done $0x0  }
0x30: {  	[sflag:s14] =	ssyncadd.s32 $0xFFFFC000  }
0x31: {  	[spmem:s9] =	stream.linear.scatter [tilespmem:s16], [sflag:$0x2], $0x4000, $0x38;
	[tilespmem:$0x1D000] =	vst v63  }
0x32: {  	_ =	swait.ge [sflag:s14], $0x4000  }
0x33: {  	[sflag:s14] =	ssyncset.done $0x0  }
0x34: {  	[sflag:s14] =	ssyncadd.s32 $0xFFFFC000  }
0x35: {  	[spmem:s10] =	stream.linear.scatter [tilespmem:s16], [sflag:$0x2], $0x4000, $0x38;
	[tilespmem:$0x1D000] =	vst v63  }
0x36: {  	_ =	swait.ge [sflag:s14], $0x4000  }
0x37: {  	[sflag:s14] =	ssyncset.done $0x0  }
0x38: {  	[sflag:s14] =	ssyncadd.s32 $0xFFFFC000  }
0x39: {  	[spmem:s11] =	stream.linear.scatter [tilespmem:s16], [sflag:$0x2], $0x4000, $0x38;
	[tilespmem:$0x1D000] =	vst v63  }
0x3a: {  	_ =	swait.ge [sflag:s14], $0x4000  }
0x3b: {  	[sflag:s14] =	ssyncset.done $0x0  }
0x3c: {  	[sflag:s14] =	ssyncadd.s32 $0xFFFFC000  }
0x3d: {  	s30 =	simm.s32 $0x0;
	[bflag:$0x0] =	sbarrier.arrive $0xFFFF  }
0x3e: {  	[tilespmem:s16], [sflag:$0x1] =	stream.indirect.gather [hbm4b:s4+s17], $0x80, s30, s17, $0xb8;
	[tilespmem:$0x1D000] =	vst v63  }
0x3f: {  	_ =	swait.ge [sflag:s18], $0x4000  }
0x40: {  	[sflag:s18] =	ssyncset.done $0x0  }
0x41: {  	s31 =	simm.s32 $0x2800;
	[sflag:s18] =	ssyncadd.s32 $0xFFFFC000  }
0x42: {  	[spmem:s2] =	stream.indirect.scatter.add.f32 [tilespmem:s16], [sflag:$0x2], $0x80, s31, s17, $0xb8;
	[tilespmem:$0x1D000] =	vst v63  }
0x43: {  	_ =	swait.ge [sflag:s14], $0x4000  }
0x44: {  	s22 =	simm.s32 $0x200;
	s23 =	simm.s32 $0x400;
	[sflag:s14] =	ssyncset.done $0x0  }
.LBB2_4:
0x45: {  	s24 =	sshra.s32 s22, $0x2  }
0x46: {  	[sflag:s14] =	ssyncadd.s32 $0xFFFFC000;
	s22 =	smov.u32 s23;
	s25 =	sadd.s32 $0x200, s23  }
0x47: {  	[tilespmem:s16], [sflag:$0x1] =	stream.indirect.gather [hbm4b:s4+s17], $0x80, s24, s17, $0xb8;
	[tilespmem:$0x1D000] =	vst v63  }
0x48: {  	p0 =	sne.s32 s23, $0x9C00;
	_ =	swait.ge [sflag:s18], $0x4000  }
.Ltmp1:
0x49: {  	[sflag:s18] =	ssyncset.done $0x0;
	(pc) =	sbr.rel @p0 .LBB2_4-.Ltmp1, $4  }
0x4a: {  	s23 =	sadd.s32 $0x2800, s24;
	[sflag:s18] =	ssyncadd.s32 $0xFFFFC000  }
0x4b: {  	[spmem:s2] =	stream.indirect.scatter.add.f32 [tilespmem:s16], [sflag:$0x2], $0x80, s23, s17, $0xb8;
	[tilespmem:$0x1D000] =	vst v63  }
0x4c: {  	_ =	swait.ge [sflag:s14], $0x4000  }
0x4d: {  	s23 =	smov.u32 s25;
	[sflag:s14] =	ssyncset.done $0x0  }
0x4e: {  	s22 =	sshra.s32 s22, $0x2;
	[sflag:s14] =	ssyncadd.s32 $0xFFFFC000  }
0x4f: {  	[tilespmem:s16], [sflag:$0x1] =	stream.indirect.gather [hbm4b:s4+s17], $0x80, s22, s17, $0xb8;
	[tilespmem:$0x1D000] =	vst v63  }
0x50: {  	_ =	swait.ge [sflag:s18], $0x4000  }
0x51: {  	[sflag:s18] =	ssyncset.done $0x0  }
0x52: {  	s22 =	sadd.s32 $0x2800, s22;
	[sflag:s18] =	ssyncadd.s32 $0xFFFFC000  }
0x53: {  	[spmem:s2] =	stream.indirect.scatter.add.f32 [tilespmem:s16], [sflag:$0x2], $0x80, s22, s17, $0xb8;
	[tilespmem:$0x1D000] =	vst v63  }
0x54: {  	_ =	swait.ge [sflag:s14], $0x4000  }
0x55: {  	s21 =	sadd.s32 $0x1, s21;
	[sflag:s14] =	ssyncset.done $0x0  }
0x56: {  	p0 =	sne.s32 s21, s13;
	[sflag:s14] =	ssyncadd.s32 $0xFFFFC000  }
.Ltmp2:
0x57: {  	[bflag:$0x0] =	sbarrier.arrive $0xFFFF;
	(pc) =	sbr.rel @p0 .LBB2_1-.Ltmp2, $4  }
0x58: {  	[hbm:s12], [sflag:s19] =	dma.local [spmem:s20], $0x2800  }
0x59: {  	_ =	swait.ge [sflag:s14], $0x2800  }
0x5a: {  	[sflag:s14] =	ssyncset.done $0x0  }
0x5b: {  	[sflag:s14] =	ssyncadd.s32 $0xFFFFD800  }
0x5c: {  	_ =	sfence.sel $0x180000  }
0x5d: {  	[bflag:$0x0] =	sbarrier.arrive $0xFFFF  }
0x5e: {  	p0 =	sne.s32 s1, $0x0;
	_ =	strace $0x9000004A  }
0x5f: {  	s0 =	sadd.s32 @!p0 $0x100000, s0;
	[bflag:$0x2] =	sbarrier.arrive $0xFFFF  }
0x60: {  	[sflag:s0] =	ssyncadd.tile.s32 @!p0 $0x1;
	_ =	shalt  }
.Lfunc_end2:
_tile_overlayer_lowered:
.L_overlay_start_2:
0x61: {  	(tag) =	ssettag $0x2  }
0x62: {  	s0 =	rddreg [dreg:$0x0];
	s2 =	stileid.u32  }
0x63: {  	s1 =	rddreg [dreg:$0x1];
	p0 =	sne.s32 s2, $0x0  }
0x64: {  	s3 =	rddreg [dreg:$0x2];
	[bflag:$0x3] =	sbarrier.arrive $0xFFFF;
	s2 =	simm.s32 @!p0 $0x1C02  }
0x65: {  	[timem:s3], [sflag:s2] =	dma.local @!p0 [hbm:s0], s1  }
0x66: {  	s0 =	simm.s32 @!p0 $0x2  }
0x67: {  	_ =	swait.ge @!p0 [sflag:s0], s1  }
0x68: {  	s1 =	ssub.s32 @!p0 $0x0, s1;
	[sflag:s0] =	ssyncset.done @!p0 $0x0  }
0x69: {  	[sflag:s0] =	ssyncadd.s32 @!p0 s1  }
0x6a: {  	[bflag:$0x3] =	sbarrier.arrive $0xFFFF  }
0x6b: {  	_ =	shalt  }

// kernel: kernel.7.cloned.1.call-start
scs
__scs_entry_jumppad:
0x0: {  	(pc) =	sbr.rel $0x88, $3  }
0x1: {  	(tag) =	ssettag $0x0;
	lr =	simm.s32 $0x1  }
0x2: {  	[smem:$0x3F9D] =	sst lr;
	_ =	strace $0xD0000000  }
0x3: {  	_ = 	snop  }
0x4: {  	_ = 	snop  }
0x5: {  	_ = 	snop  }
0x6: {  	_ = 	snop  }
0x7: {  	_ = 	snop  }
__scs_overlays_trampoline_lowered:
0x8: {  	[smem:$0x3FAC] =	sst s0  }
0x9: {  	[smem:$0x3FAD] =	sst s1  }
0xa: {  	[smem:$0x3FAE] =	sst s2  }
0xb: {  	[smem:$0x3FAF] =	sst s3  }
0xc: {  	[smem:$0x3FB0] =	sst s4  }
0xd: {  	[smem:$0x3FB1] =	sst s5  }
0xe: {  	[smem:$0x3FB2] =	sst s6  }
0xf: {  	[smem:$0x3FB3] =	sst s7  }
0x10: {  	[smem:$0x3FB4] =	sst s8  }
0x11: {  	[smem:$0x3FB5] =	sst s9;
	s0 =	simm.s32 @!p0 $0x0  }
0x12: {  	s1 =	sld [smem:$0x3F9B];
	s0 =	simm.s32 @p0 $0x1  }
0x13: {  	[smem:$0x3FB6] =	sst s0;
	s0 =	simm.s32 @!p1 $0x0  }
0x14: {  	s2 =	sld [smem:$0x3F9A];
	s0 =	simm.s32 @p1 $0x1  }
0x15: {  	[smem:$0x3FB7] =	sst s0;
	s0 =	simm.s32 @!p2 $0x0  }
0x16: {  	s3 =	sld [smem:$0x3FDB];
	s0 =	simm.s32 @p2 $0x1  }
0x17: {  	s4 =	simm.s32 $0x1BF5;
	[smem:$0x3FB9] =	sst s0  }
0x18: {  	s0 =	sld [smem:$0x3F9C];
	_ =	swait.ge [sflag:s4], $0x0  }
0x19: {  	s7 =	sld [smem:$0x3F9D]  }
0x1a: {  	s8 =	sadd.s32 $0xFFFFE003, lr  }
0x1b: {  	s9 =	sadd.s32 $0xFFFFFEF7, lr;
	s5 =	simm.s32 $0xFFFFFFFF;
	p2 =	slt.u32 s8, $0xFFFFF086  }
0x1c: {  	p1 =	slt.u32 s9, $0xF7A;
	s5 =	simm.s32 @!p2 $0x0  }
0x1d: {  	s5 =	simm.s32 @p1 $0x1;
	p0 =	seq.s32 s7, s2  }
0x1e: {  	s7 =	smul.u32 @!p0 $0xF7A, s2;
	p2 =	seq.s32 @!p0 s5, $0x0  }
0x1f: {  	s9 =	smul.u32 $0xF7A, s1;
	s8 =	simm.s32 @!p0 $0x1BF5;
	p2 =	por !p2, p0  }
0x20: {  	[sflag:s8] =	ssyncset.s32 @!p0 $0xFFFFF086;
	s6 =	sadd.s32 @!p0 s3, s7;
	s7 =	simm.s32 @!p0 $0x108  }
0x21: {  	s3 =	sadd.s32 s3, s9;
	s6 =	sadd.s32 @!p0 $0x88, s6;
	s7 =	simm.s32 @p2 $0x1082  }
0x22: {  	[simem:s7], [sflag:s8] =	dma.local @!p0 [hbm:s6], $0xF7A  }
0x23: {  	s9 =	sor.u32 $0xD0000000, s2;
	s6 =	simm.s32 $0x108;
	_ =	swait.ge @!p0 [sflag:s8], $0x0  }
0x24: {  	s3 =	sadd.s32 $0x88, s3;
	s6 =	simm.s32 @!p1 $0x1082;
	[sflag:s4] =	ssyncset.s32 $0xFFFFF086  }
0x25: {  	[simem:s6], [sflag:s4] =	dma.local [hbm:s3], $0xF7A  }
0x26: {  	[smem:$0x3F9D] =	sst s1;
	(tag) =	ssettag s2;
	_ =	strace s9  }
0x27: {  	s1 =	sld [smem:$0x3FAD]  }
0x28: {  	s2 =	sld [smem:$0x3FAE]  }
0x29: {  	s4 =	sld [smem:$0x3FB0]  }
0x2a: {  	p0 =	seq.s32 s5, $0x0;
	s5 =	sld [smem:$0x3FB1]  }
0x2b: {  	s6 =	sld [smem:$0x3FB2]  }
0x2c: {  	s7 =	sld [smem:$0x3FB3]  }
0x2d: {  	s3 =	simm.s32 $0x108;
	s8 =	sld [smem:$0x3FB4]  }
0x2e: {  	s3 =	simm.s32 @!p0 $0x1082;
	s9 =	sld [smem:$0x3FB5]  }
0x2f: {  	lr =	sadd.s32 s0, s3;
	s0 =	sld [smem:$0x3FAC]  }
0x30: {  	s3 =	sld [smem:$0x3FAF]  }
0x31: {  	[smem:$0x3FB8] =	sst s10  }
0x32: {  	s10 =	sld [smem:$0x3FB6];
	_ =	sdelay $0x3  }
0x33: {  	p0 =	seq.s32 s10, $0x1;
	s10 =	sld [smem:$0x3FB8];
	_ =	sdelay $0x3  }
0x34: {  	[smem:$0x3FB8] =	sst s10  }
0x35: {  	s10 =	sld [smem:$0x3FB7];
	_ =	sdelay $0x3  }
0x36: {  	p1 =	seq.s32 s10, $0x1;
	s10 =	sld [smem:$0x3FB8];
	_ =	sdelay $0x3  }
0x37: {  	[smem:$0x3FB8] =	sst s10  }
0x38: {  	s10 =	sld [smem:$0x3FB9]  }
0x39: {  	_ = 	snop;
	(pc) =	sbr.ind lr, $3  }
0x3a: {  	_ = 	snop  }
0x3b: {  	_ = 	snop  }
0x3c: {  	p2 =	seq.s32 s10, $0x1;
	s10 =	sld [smem:$0x3FB8]  }
0x3d: {  	_ =	shalt  }
0x3e: {  	_ =	shalt  }
0x3f: {  	_ =	shalt  }
0x40: {  	_ =	shalt  }
0x41: {  	_ =	shalt  }
0x42: {  	_ =	shalt  }
0x43: {  	_ =	shalt  }
0x44: {  	_ =	shalt  }
0x45: {  	_ =	shalt  }
0x46: {  	_ =	shalt  }
0x47: {  	_ =	shalt  }
0x48: {  	_ =	shalt  }
0x49: {  	_ =	shalt  }
0x4a: {  	_ =	shalt  }
0x4b: {  	_ =	shalt  }
0x4c: {  	_ =	shalt  }
0x4d: {  	_ =	shalt  }
0x4e: {  	_ =	shalt  }
0x4f: {  	_ =	shalt  }
0x50: {  	_ =	shalt  }
0x51: {  	_ =	shalt  }
0x52: {  	_ =	shalt  }
0x53: {  	_ =	shalt  }
0x54: {  	_ =	shalt  }
0x55: {  	_ =	shalt  }
0x56: {  	_ =	shalt  }
0x57: {  	_ =	shalt  }
0x58: {  	_ =	shalt  }
0x59: {  	_ =	shalt  }
0x5a: {  	_ =	shalt  }
0x5b: {  	_ =	shalt  }
0x5c: {  	_ =	shalt  }
0x5d: {  	_ =	shalt  }
0x5e: {  	_ =	shalt  }
0x5f: {  	_ =	shalt  }
0x60: {  	_ =	shalt  }
0x61: {  	_ =	shalt  }
0x62: {  	_ =	shalt  }
0x63: {  	_ =	shalt  }
0x64: {  	_ =	shalt  }
0x65: {  	_ =	shalt  }
0x66: {  	_ =	shalt  }
0x67: {  	_ =	shalt  }
0x68: {  	_ =	shalt  }
0x69: {  	_ =	shalt  }
0x6a: {  	_ =	shalt  }
0x6b: {  	_ =	shalt  }
0x6c: {  	_ =	shalt  }
0x6d: {  	_ =	shalt  }
0x6e: {  	_ =	shalt  }
0x6f: {  	_ =	shalt  }
0x70: {  	_ =	shalt  }
0x71: {  	_ =	shalt  }
0x72: {  	_ =	shalt  }
0x73: {  	_ =	shalt  }
0x74: {  	_ =	shalt  }
0x75: {  	_ =	shalt  }
0x76: {  	_ =	shalt  }
0x77: {  	_ =	shalt  }
0x78: {  	_ =	shalt  }
0x79: {  	_ =	shalt  }
0x7a: {  	_ =	shalt  }
0x7b: {  	_ =	shalt  }
0x7c: {  	_ =	shalt  }
0x7d: {  	_ =	shalt  }
0x7e: {  	_ =	shalt  }
0x7f: {  	_ =	shalt  }
0x80: {  	_ =	shalt  }
0x81: {  	_ =	shalt  }
0x82: {  	_ =	shalt  }
0x83: {  	_ =	shalt  }
0x84: {  	_ =	shalt  }
0x85: {  	_ =	shalt  }
0x86: {  	_ =	shalt  }
0x87: {  	_ =	shalt  }
.Lfunc_end0:
.L_simem_size_0:
called_computation_lowered:
.L_overlay_start_0:
0x88: {  	s2 =	sld [smem:$0x3FD9]  }
0x89: {  	s3 =	sld [smem:$0x3FFE];
	_ =	sdelay $0x1  }
0x8a: {  	s1 =	srdreg.scid  }
0x8b: {  	s0 =	sand.u32 $0x1, s1  }
0x8c: {  	s17 =	sshll.u32 s0, $0xA;
	s2 =	sadd.s32 s3, s2  }
0x8d: {  	s2 =	sadd.s32 s2, s17  }
0x8e: {  	[smem:$0x3FC4] =	sst s2  }
0x8f: {  	_ = 	snop  }
0x90: {  	s2 =	sld [smem:$0x3FD0];
	(tm) =	ssettm $0x1  }
0x91: {  	s18 =	sld [smem:$0x3FFB];
	_ =	sdelay $0x3  }
0x92: {  	_ =	strace s18  }
0x93: {  	s3 =	sld [smem:$0x3FFC];
	_ =	sdelay $0x3  }
0x94: {  	_ =	strace s3  }
0x95: {  	s3 =	sld [smem:$0x3FFD];
	_ =	sdelay $0x3  }
0x96: {  	_ =	strace s3  }
0x97: {  	_ =	strace $0x8FFFFFFF  }
0x98: {  	s19 =	sld [smem:$0x3FDB];
	_ =	sdelay $0x1  }
0x99: {  	s4 =	simm.s32 $_scs_section_size  }
0x9a: {  	s5 =	simm.s32 $_size__tile_overlayer_lowered;
	s6 =	simm.s32 $_tile_overlayer_lowered  }
0x9b: {  	s22 =	simm.s32 $0x1BFF;
	s21 =	sshll.u32 s6, $0x1;
	s3 =	sadd.s32 s4, s19  }
0x9c: {  	s7 =	simm.s32 $0x0;
	s20 =	sshll.u32 s5, $0x1;
	s5 =	sadd.s32 s21, s3  }
0x9d: {  	[timem:s7], [sflag:s22] =	dma.local [hbm:s5], s20  }
0x9e: {  	_ =	swait.ge [sflag:s22], s20  }
0x9f: {  	s4 =	ssub.s32 $0x0, s20;
	[sflag:s22] =	ssyncset.done $0x0  }
0xa0: {  	[sflag:s22] =	ssyncadd.s32 s4;
	_ =	sdelay $0x1  }
0xa1: {  	s23 =	simm.s32 $0x1B8B  }
0xa2: {  	_ =	swait.ge [sflag:s23], $0x1  }
0xa3: {  	[sflag:s23] =	ssyncset.done $0x0  }
0xa4: {  	s25 =	simm.s32 $0x1B8E;
	s24 =	sld [smem:$0x3FFE];
	[sflag:s23] =	ssyncadd.s32 $0xFFFFFFFF  }
0xa5: {  	s26 =	simm.s32 $execute0_lowered;
	[smem:$0x3FD2] =	sst s25  }
0xa6: {  	s5 =	sshll.u32 s26, $0x1;
	_ =	strace $0x80000046;
	[dreg:$0x1] =	wrdreg $0xFFFFFFFF  }
0xa7: {  	s28 =	simm.s32 $_size_execute0_lowered;
	s3 =	sadd.s32 s3, s5;
	[dreg:$0x0] =	wrdreg $0x0  }
0xa8: {  	s5 =	sshll.u32 s28, $0x1;
	[dreg:$0x2] =	wrdreg s3  }
0xa9: {  	[dreg:$0x3] =	wrdreg s5  }
0xaa: {  	[dreg:$0x4] =	wrdreg $0xC0  }
0xab: {  	_ =	task [dreg:s7], $0x5FFFF  }
0xac: {  	[dreg:$0x1] =	wrdreg $0xFFFFFFFF  }
0xad: {  	[dreg:$0x0] =	wrdreg $0x60  }
0xae: {  	[dreg:$0x2] =	wrdreg s2  }
0xaf: {  	[dreg:$0x3] =	wrdreg s24  }
0xb0: {  	[dreg:$0x4] =	wrdreg $0x7A800  }
0xb1: {  	[dreg:$0x5] =	wrdreg $0x9  }
0xb2: {  	_ =	task.clear_ibuf [dreg:s7], $0x6FFFF;
	_ =	strace $0x90000046  }
0xb3: {  	s29 =	simm.s32 $0x9;
	_ =	strace $0x80000048  }
0xb4: {  	_ =	swait.ge [sflag:s29], $0x1  }
0xb5: {  	[sflag:s29] =	ssyncadd.s32 $0xFFFFFFFF  }
0xb6: {  	_ =	strace $0x90000048  }
0xb7: {  	_ =	sfence  }
0xb8: {  	s30 =	sld [smem:$0x0];
	_ =	sdelay $0x2  }
0xb9: {  	s31 =	sshll.u32 s1, $0xD;
	s1 =	sshrl.u32 s1, $0x2  }
0xba: {  	s3 =	sand.u32 $0x4000, s31;
	s1 =	sadd.s32 s1, s30  }
0xbb: {  	s0 =	sor.u32 s3, s0;
	s1 =	sshll.u32 s1, $0x11  }
0xbc: {  	s0 =	sor.u32 s1, s0  }
0xbd: {  	s0 =	sadd.s32 $0x8F2B, s0  }
0xbe: {  	[sflag:s0] =	ssyncadd.remote.s32 $0x1  }
0xbf: {  	_ =	sfence.sel $0xFFFF  }
0xc0: {  	[dreg:$0x0] =	wrdreg $0xFFFFFFFF;
	(pc) =	sbr.abs _section_cstart, $3  }
0xc1: {  	[dreg:$0x1] =	wrdreg $0xFFFFFFFF  }
0xc2: {  	_ =	task.clear_ibuf [dreg:s7], $0x2FFFF;
	_ =	strace $0x9FFFFFFF  }
0xc3: {  	(tm) =	ssettm $0x7FFFFFFF  }
tec
execute0_lowered:
.L_overlay_start_1:
0x0: {  	(tag) =	ssettag $0x1  }
0x1: {  	s10 =	stileid.u32  }
0x2: {  	s2 =	srdreg.scid;
	s5 =	smul.u32 $0x500, s10  }
0x3: {  	s0 =	rddreg [dreg:$0x0];
	s4 =	sand.u32 $0x1, s2;
	s8 =	smul.u32 $0x5000, s10  }
0x4: {  	s1 =	rddreg [dreg:$0x1];
	s6 =	smul.u32 $0x50000, s4  }
0x5: {  	s3 =	rddreg [dreg:$0x2];
	s2 =	simm.s32 $0x0;
	s7 =	sshll.u32 s4, $0x7  }
0x6: {  	[smem:$0x7FF] =	sst s2;
	s5 =	sor.u32 s7, s5;
	s6 =	sadd.s32 s8, s6  }
0x7: {  	s11 =	sshrl.u32 s8, $0x2;
	s5 =	sshrl.u32 s5, $0x3;
	s6 =	sshrl.u32 s6, $0x3  }
0x8: {  	s1 =	sadd.s32 s5, s1;
	s5 =	sadd.s32 s11, s3;
	s6 =	sadd.s32 s0, s6  }
0x9: {  	_ =	strace $0x80000047;
	s13 =	sadd.s32 $0x80, s5;
	[dreg:$0x4] =	wrdreg s6  }
0xa: {  	s14 =	sadd.s32 $0x100, s5;
	[dreg:$0x7] =	wrdreg s13  }
0xb: {  	s15 =	sadd.s32 $0x180, s5;
	[dreg:$0x8] =	wrdreg s14  }
0xc: {  	s16 =	sadd.s32 $0x200, s5;
	[dreg:$0x9] =	wrdreg s15  }
0xd: {  	s17 =	sadd.s32 $0x280, s5;
	[dreg:$0xa] =	wrdreg s16  }
0xe: {  	s18 =	sadd.s32 $0x300, s5;
	[dreg:$0xb] =	wrdreg s17  }
0xf: {  	s19 =	sadd.s32 $0x380, s5;
	[dreg:$0xc] =	wrdreg s18  }
0x10: {  	s20 =	sadd.s32 $0x14000, s5;
	[dreg:$0xd] =	wrdreg s19  }
0x11: {  	s21 =	sadd.s32 $0x14080, s5;
	[dreg:$0xe] =	wrdreg s20  }
0x12: {  	s26 =	sshrl.u32 s10, $0x3;
	s22 =	sadd.s32 $0x14100, s5;
	[dreg:$0xf] =	wrdreg s21  }
0x13: {  	s4 =	ssub.s32 $0x2, s4;
	s23 =	sadd.s32 $0x14180, s5;
	[dreg:$0x10] =	wrdreg s22  }
0x14: {  	s9 =	sshrl.u32 s4, $0x1;
	s24 =	sadd.s32 $0x14200, s5;
	[dreg:$0x11] =	wrdreg s23  }
0x15: {  	s7 =	smul.u32 $0x50000, s26;
	s25 =	sadd.s32 $0x14280, s5;
	[dreg:$0x12] =	wrdreg s24  }
0x16: {  	s4 =	ssub.s32 s4, s9;
	s26 =	sadd.s32 $0x14300, s5;
	[dreg:$0x13] =	wrdreg s25  }
0x17: {  	s0 =	sshrl.u32 s7, $0x2;
	s7 =	smax.u32 s4, $0x1;
	[dreg:$0x14] =	wrdreg s26  }
0x18: {  	s10 =	sshll.u32 s10, $0x7;
	s8 =	sadd.s32 $0x400, s5;
	[dreg:$0x17] =	wrdreg s7  }
0x19: {  	s12 =	sand.u32 $0x380, s10;
	s10 =	sadd.s32 $0xC00, s5;
	[dreg:$0x18] =	wrdreg s8  }
0x1a: {  	s11 =	sadd.s32 $0x1000, s5;
	[dreg:$0x1a] =	wrdreg s10  }
0x1b: {  	s4 =	sadd.s32 $0xA80, s5;
	[dreg:$0x1b] =	wrdreg s11  }
0x1c: {  	s9 =	sadd.s32 $0x500, s6;
	[smem:$0x7E8] =	sst s4  }
0x1d: {  	s0 =	sadd.s32 s0, s3;
	s3 =	sadd.s32 $0x14380, s5;
	[dreg:$0x5] =	wrdreg s9  }
0x1e: {  	s6 =	sadd.s32 $0x1A00, s1;
	[dreg:$0x15] =	wrdreg s3  }
0x1f: {  	s13 =	sadd.s32 $0x880, s5;
	[dreg:$0x16] =	wrdreg s6  }
0x20: {  	s14 =	sadd.s32 $0xC80, s5;
	[dreg:$0x1d] =	wrdreg s13  }
0x21: {  	s15 =	sadd.s32 $0x1080, s5;
	[dreg:$0x1e] =	wrdreg s14  }
0x22: {  	s16 =	sadd.s32 $0x500, s5;
	[dreg:$0x1f] =	wrdreg s15  }
0x23: {  	s17 =	sadd.s32 $0x900, s5;
	[smem:$0x7DB] =	sst s16  }
0x24: {  	s18 =	sadd.s32 $0xD00, s5;
	[smem:$0x7DC] =	sst s17  }
0x25: {  	s19 =	sadd.s32 $0x1100, s5;
	[smem:$0x7DD] =	sst s18  }
0x26: {  	s20 =	sadd.s32 $0x580, s5;
	[smem:$0x7DE] =	sst s19  }
0x27: {  	s21 =	sadd.s32 $0x980, s5;
	[smem:$0x7DF] =	sst s20  }
0x28: {  	s22 =	sadd.s32 $0xD80, s5;
	[smem:$0x7E0] =	sst s21  }
0x29: {  	s23 =	sadd.s32 $0x1180, s5;
	[smem:$0x7E1] =	sst s22  }
0x2a: {  	s24 =	sadd.s32 $0x600, s5;
	[smem:$0x7E2] =	sst s23  }
0x2b: {  	s25 =	sadd.s32 $0xA00, s5;
	[smem:$0x7E3] =	sst s24  }
0x2c: {  	s26 =	sadd.s32 $0xE00, s5;
	[smem:$0x7E4] =	sst s25  }
0x2d: {  	s1 =	sadd.s32 $0x1200, s5;
	[smem:$0x7E5] =	sst s26  }
0x2e: {  	s7 =	sadd.s32 $0x1280, s5;
	[smem:$0x7E6] =	sst s1  }
0x2f: {  	s8 =	sadd.s32 $0x700, s5;
	[smem:$0x7EA] =	sst s7  }
0x30: {  	s10 =	sadd.s32 $0xF00, s5;
	[smem:$0x7EB] =	sst s8  }
0x31: {  	s11 =	sadd.s32 $0x1300, s5;
	[smem:$0x7ED] =	sst s10  }
0x32: {  	s0 =	sadd.s32 s12, s0;
	[smem:$0x7EE] =	sst s11  }
0x33: {  	s9 =	sadd.s32 $0x800, s5;
	[dreg:$0x6] =	wrdreg s0  }
0x34: {  	s12 =	sadd.s32 $0x480, s5;
	[dreg:$0x19] =	wrdreg s9  }
0x35: {  	s3 =	sadd.s32 $0x680, s5;
	[dreg:$0x1c] =	wrdreg s12  }
0x36: {  	s6 =	sadd.s32 $0xE80, s5;
	[smem:$0x7E7] =	sst s3  }
0x37: {  	s13 =	sadd.s32 $0xB80, s5;
	[smem:$0x7E9] =	sst s6  }
0x38: {  	s14 =	sadd.s32 $0xF80, s5;
	[smem:$0x7F0] =	sst s13  }
0x39: {  	s15 =	sadd.s32 $0x1380, s5;
	[smem:$0x7F1] =	sst s14  }
0x3a: {  	s16 =	sadd.s32 $0x14400, s5;
	[smem:$0x7F2] =	sst s15  }
0x3b: {  	s17 =	sadd.s32 $0x14800, s5;
	[smem:$0x7F3] =	sst s16  }
0x3c: {  	s18 =	sadd.s32 $0x14C00, s5;
	[smem:$0x7F4] =	sst s17  }
0x3d: {  	s31 =	simm.s32 $0x1;
	s19 =	sadd.s32 $0x15000, s5;
	[smem:$0x7F5] =	sst s18  }
0x3e: {  	s28 =	sadd.s32 $0x14B80, s5;
	s20 =	sadd.s32 $0x14480, s5;
	[smem:$0x7F6] =	sst s19  }
0x3f: {  	s29 =	sadd.s32 $0x14F80, s5;
	s21 =	sadd.s32 $0x14880, s5;
	[smem:$0x7F7] =	sst s20  }
0x40: {  	s30 =	sadd.s32 $0x15380, s5;
	s22 =	sadd.s32 $0x14C80, s5;
	[smem:$0x7F8] =	sst s21  }
0x41: {  	s23 =	sadd.s32 $0x15080, s5;
	s24 =	sadd.s32 $0x14500, s5;
	[smem:$0x7F9] =	sst s22  }
0x42: {  	s25 =	sadd.s32 $0x14900, s5;
	s26 =	sadd.s32 $0x14D00, s5;
	[smem:$0x7FA] =	sst s23  }
0x43: {  	s10 =	sadd.s32 $0x15100, s5;
	s11 =	sadd.s32 $0x14580, s5;
	[smem:$0x7FB] =	sst s24  }
0x44: {  	s1 =	simm.s32 $0x2800;
	s9 =	sadd.s32 $0xB00, s5;
	[smem:$0x7FC] =	sst s25  }
0x45: {  	s12 =	sadd.s32 $0x780, s5;
	[smem:$0x7FD] =	sst s26;
	s3 =	sadd.s32 $0x14980, s5  }
0x46: {  	s13 =	sadd.s32 $0x15180, s5;
	s14 =	sadd.s32 $0x14600, s5;
	s15 =	sadd.s32 $0x14A00, s5  }
0x47: {  	s16 =	sadd.s32 $0x14E00, s5;
	s17 =	sadd.s32 $0x15200, s5;
	s18 =	sadd.s32 $0x14680, s5  }
0x48: {  	s19 =	sadd.s32 $0x14A80, s5;
	s20 =	sadd.s32 $0x14E80, s5;
	s21 =	sadd.s32 $0x15280, s5  }
0x49: {  	s22 =	sadd.s32 $0x14700, s5;
	s23 =	sadd.s32 $0x14B00, s5;
	s24 =	sadd.s32 $0x14F00, s5  }
0x4a: {  	s25 =	sadd.s32 $0x15300, s5;
	s26 =	sadd.s32 $0x14780, s5;
	[smem:$0x7EC] =	sst s9  }
0x4b: {  	v0 =	vimm.f32 $0.0e+00;
	v1 =	vimm.f32 $1.000000000e+00;
	s0 =	simm.s32 $0x80;
	[smem:$0x7EF] =	sst s12;
	s12 =	sadd.s32 $0x14D80, s5  }
.LBB2_1:
0x4c: {  	s4 =	simm.s32 $0x40;
	s6 =	simm.s32 $0x0  }
.LBB2_2:
0x4d: {  	p0 =	sne.s32 s4, $0x9FC0;
	[tilespmem:s6+$0x2800] =	vst v0;
	s6 =	smov.u32 s4;
	s4 =	sadd.s32 $0x40, s4  }
.Ltmp0:
0x4e: {  	(pc) =	sbr.rel @p0 .LBB2_2-.Ltmp0, $2  }
0x4f: {  	_ =	sdelay $0x2  }
0x50: {  	s6 =	sshra.s32 s6, $0x2  }
0x51: {  	[tilespmem:s6+$0x2800] =	vst v0;
	s4 =	simm.s32 $0x0;
	s9 =	rddreg [dreg:$0x4]  }
0x52: {  	[tilespmem:s4], [sflag:$0x1] =	stream.linear.gather [hbm4b:s9+s4], $0x2780, $0x38;
	[tilespmem:$0xA280] =	vst v63  }
0x53: {  	_ =	swait.ge [sflag:s31], $0x2780  }
0x54: {  	[sflag:s31] =	ssyncset.done $0x0  }
0x55: {  	[sflag:s31] =	ssyncadd.s32 $0xFFFFD880  }
.LBB2_4:
0x56: {  	s6 =	sshra.s32 s4, $0x2  }
0x57: {  	v2 =	vld [tilespmem:s6+$0x0];
	_ =	sdelay $0x7  }
0x58: {  	[tilespmem:v2+s1+$0x0] =	vst.idx.add.f32.msk $0xffff, v1  }
0x59: {  	v2 =	vld [tilespmem:s6+$0x10];
	_ =	sdelay $0x7  }
0x5a: {  	[tilespmem:v2+s1+$0x0] =	vst.idx.add.f32.msk $0xffff, v1  }
0x5b: {  	v2 =	vld [tilespmem:s6+$0x20];
	_ =	sdelay $0x7  }
0x5c: {  	[tilespmem:v2+s1+$0x0] =	vst.idx.add.f32.msk $0xffff, v1  }
0x5d: {  	v2 =	vld [tilespmem:s6+$0x30];
	_ =	sdelay $0x7  }
0x5e: {  	[tilespmem:v2+s1+$0x0] =	vst.idx.add.f32.msk $0xffff, v1  }
0x5f: {  	v2 =	vld [tilespmem:s6+$0x40];
	_ =	sdelay $0x7  }
0x60: {  	[tilespmem:v2+s1+$0x0] =	vst.idx.add.f32.msk $0xffff, v1  }
0x61: {  	v2 =	vld [tilespmem:s6+$0x50];
	_ =	sdelay $0x7  }
0x62: {  	[tilespmem:v2+s1+$0x0] =	vst.idx.add.f32.msk $0xffff, v1  }
0x63: {  	v2 =	vld [tilespmem:s6+$0x60];
	_ =	sdelay $0x7  }
0x64: {  	[tilespmem:v2+s1+$0x0] =	vst.idx.add.f32.msk $0xffff, v1  }
0x65: {  	v2 =	vld [tilespmem:s6+$0x70];
	_ =	sdelay $0x2  }
0x66: {  	p0 =	sne.s32 s4, $0x9C00  }
.Ltmp1:
0x67: {  	_ = 	snop;
	(pc) =	sbr.rel @p0 .LBB2_4-.Ltmp1, $2  }
0x68: {  	_ =	sdelay $0x2  }
0x69: {  	s4 =	sadd.s32 $0x200, s4;
	[tilespmem:v2+s1+$0x0] =	vst.idx.add.f32.msk $0xffff, v1  }
0x6a: {  	s4 =	simm.s32 $0x0;
	s6 =	rddreg [dreg:$0x5]  }
0x6b: {  	[tilespmem:s4], [sflag:$0x1] =	stream.linear.gather [hbm4b:s6+s4], $0x2780, $0x38;
	[tilespmem:$0xA280] =	vst v63  }
0x6c: {  	_ =	swait.ge [sflag:s31], $0x2780  }
0x6d: {  	[sflag:s31] =	ssyncset.done $0x0  }
0x6e: {  	[sflag:s31] =	ssyncadd.s32 $0xFFFFD880  }
.LBB2_6:
0x6f: {  	s6 =	sshra.s32 s4, $0x2  }
0x70: {  	v2 =	vld [tilespmem:s6+$0x0];
	_ =	sdelay $0x7  }
0x71: {  	[tilespmem:v2+s1+$0x0] =	vst.idx.add.f32.msk $0xffff, v1  }
0x72: {  	v2 =	vld [tilespmem:s6+$0x10];
	_ =	sdelay $0x7  }
0x73: {  	[tilespmem:v2+s1+$0x0] =	vst.idx.add.f32.msk $0xffff, v1  }
0x74: {  	v2 =	vld [tilespmem:s6+$0x20];
	_ =	sdelay $0x7  }
0x75: {  	[tilespmem:v2+s1+$0x0] =	vst.idx.add.f32.msk $0xffff, v1  }
0x76: {  	v2 =	vld [tilespmem:s6+$0x30];
	_ =	sdelay $0x7  }
0x77: {  	[tilespmem:v2+s1+$0x0] =	vst.idx.add.f32.msk $0xffff, v1  }
0x78: {  	v2 =	vld [tilespmem:s6+$0x40];
	_ =	sdelay $0x7  }
0x79: {  	[tilespmem:v2+s1+$0x0] =	vst.idx.add.f32.msk $0xffff, v1  }
0x7a: {  	v2 =	vld [tilespmem:s6+$0x50];
	_ =	sdelay $0x7  }
0x7b: {  	[tilespmem:v2+s1+$0x0] =	vst.idx.add.f32.msk $0xffff, v1  }
0x7c: {  	v2 =	vld [tilespmem:s6+$0x60];
	_ =	sdelay $0x7  }
0x7d: {  	[tilespmem:v2+s1+$0x0] =	vst.idx.add.f32.msk $0xffff, v1  }
0x7e: {  	v2 =	vld [tilespmem:s6+$0x70];
	_ =	sdelay $0x2  }
0x7f: {  	p0 =	sne.s32 s4, $0x9C00  }
.Ltmp2:
0x80: {  	_ = 	snop;
	(pc) =	sbr.rel @p0 .LBB2_6-.Ltmp2, $2  }
0x81: {  	_ =	sdelay $0x2  }
0x82: {  	s4 =	sadd.s32 $0x200, s4;
	[tilespmem:v2+s1+$0x0] =	vst.idx.add.f32.msk $0xffff, v1  }
0x83: {  	s4 =	rddreg [dreg:$0x6];
	s6 =	simm.s32 $0x400  }
0x84: {  	[spmem:s4] =	stream.strided.scatter [tilespmem:s1], [sflag:$0x1], $0x2800, s6, s0, $0x38;
	[tilespmem:$0xA280] =	vst v63  }
0x85: {  	_ =	swait.ge [sflag:s31], $0x2800  }
0x86: {  	[sflag:s31] =	ssyncset.done $0x0  }
0x87: {  	[sflag:s31] =	ssyncadd.s32 $0xFFFFD800  }
0x88: {  	s7 =	simm.s32 $0x5000;
	[bflag:$0x0] =	sbarrier.arrive $0xFFFF  }
0x89: {  	[tilespmem:s7], [sflag:$0x1] =	stream.linear.gather [spmem:s5], $0x80, $0x38;
	[tilespmem:$0xA280] =	vst v63  }
0x8a: {  	s9 =	simm.s32 $0x5400;
	s8 =	rddreg [dreg:$0x18]  }
0x8b: {  	[tilespmem:s9], [sflag:$0x1] =	stream.linear.gather [spmem:s8], $0x80, $0x38;
	[tilespmem:$0xA280] =	vst v63  }
0x8c: {  	s6 =	rddreg [dreg:$0x19];
	s7 =	simm.s32 $0x5800  }
0x8d: {  	[tilespmem:s7], [sflag:$0x1] =	stream.linear.gather [spmem:s6], $0x80, $0x38;
	[tilespmem:$0xA280] =	vst v63  }
0x8e: {  	s8 =	rddreg [dreg:$0x1a];
	s9 =	simm.s32 $0x5C00  }
0x8f: {  	[tilespmem:s9], [sflag:$0x1] =	stream.linear.gather [spmem:s8], $0x80, $0x38;
	[tilespmem:$0xA280] =	vst v63  }
0x90: {  	s6 =	rddreg [dreg:$0x1b];
	s7 =	simm.s32 $0x6000  }
0x91: {  	[tilespmem:s7], [sflag:$0x1] =	stream.linear.gather [spmem:s6], $0x80, $0x38;
	[tilespmem:$0xA280] =	vst v63  }
0x92: {  	_ =	swait.ge [sflag:s31], $0x280  }
0x93: {  	[sflag:s31] =	ssyncset.done $0x0  }
0x94: {  	s9 =	simm.s32 $0x5080;
	s8 =	rddreg [dreg:$0x7];
	[sflag:s31] =	ssyncadd.s32 $0xFFFFFD80  }
0x95: {  	[tilespmem:s9], [sflag:$0x1] =	stream.linear.gather [spmem:s8], $0x80, $0x38;
	[tilespmem:$0xA280] =	vst v63  }
0x96: {  	s7 =	simm.s32 $0x5480;
	s6 =	rddreg [dreg:$0x1c]  }
0x97: {  	[tilespmem:s7], [sflag:$0x1] =	stream.linear.gather [spmem:s6], $0x80, $0x38;
	[tilespmem:$0xA280] =	vst v63  }
0x98: {  	s8 =	rddreg [dreg:$0x1d];
	s9 =	simm.s32 $0x5880  }
0x99: {  	[tilespmem:s9], [sflag:$0x1] =	stream.linear.gather [spmem:s8], $0x80, $0x38;
	[tilespmem:$0xA280] =	vst v63  }
0x9a: {  	s6 =	rddreg [dreg:$0x1e];
	s7 =	simm.s32 $0x5C80  }
0x9b: {  	[tilespmem:s7], [sflag:$0x1] =	stream.linear.gather [spmem:s6], $0x80, $0x38;
	[tilespmem:$0xA280] =	vst v63  }
0x9c: {  	s8 =	rddreg [dreg:$0x1f];
	s9 =	simm.s32 $0x6080  }
0x9d: {  	[tilespmem:s9], [sflag:$0x1] =	stream.linear.gather [spmem:s8], $0x80, $0x38;
	[tilespmem:$0xA280] =	vst v63  }
0x9e: {  	_ =	swait.ge [sflag:s31], $0x280  }
0x9f: {  	[sflag:s31] =	ssyncset.done $0x0;
	s6 =	rddreg [dreg:$0x8]  }
0xa0: {  	s7 =	simm.s32 $0x5100;
	s8 =	sld [smem:$0x7DB];
	[sflag:s31] =	ssyncadd.s32 $0xFFFFFD80  }
0xa1: {  	[tilespmem:s7], [sflag:$0x1] =	stream.linear.gather [spmem:s6], $0x80, $0x38;
	[tilespmem:$0xA280] =	vst v63  }
0xa2: {  	s9 =	simm.s32 $0x5500;
	s6 =	sld [smem:$0x7DC]  }
0xa3: {  	[tilespmem:s9], [sflag:$0x1] =	stream.linear.gather [spmem:s8], $0x80, $0x38;
	[tilespmem:$0xA280] =	vst v63  }
0xa4: {  	s7 =	simm.s32 $0x5900;
	s8 =	sld [smem:$0x7DD]  }
0xa5: {  	[tilespmem:s7], [sflag:$0x1] =	stream.linear.gather [spmem:s6], $0x80, $0x38;
	[tilespmem:$0xA280] =	vst v63  }
0xa6: {  	s9 =	simm.s32 $0x5D00;
	s6 =	sld [smem:$0x7DE]  }
0xa7: {  	[tilespmem:s9], [sflag:$0x1] =	stream.linear.gather [spmem:s8], $0x80, $0x38;
	[tilespmem:$0xA280] =	vst v63  }
0xa8: {  	s7 =	simm.s32 $0x6100  }
0xa9: {  	[tilespmem:s7], [sflag:$0x1] =	stream.linear.gather [spmem:s6], $0x80, $0x38;
	[tilespmem:$0xA280] =	vst v63  }
0xaa: {  	_ =	swait.ge [sflag:s31], $0x280  }
0xab: {  	[sflag:s31] =	ssyncset.done $0x0;
	s8 =	rddreg [dreg:$0x9]  }
0xac: {  	s9 =	simm.s32 $0x5180;
	s6 =	sld [smem:$0x7DF];
	[sflag:s31] =	ssyncadd.s32 $0xFFFFFD80  }
0xad: {  	[tilespmem:s9], [sflag:$0x1] =	stream.linear.gather [spmem:s8], $0x80, $0x38;
	[tilespmem:$0xA280] =	vst v63  }
0xae: {  	s7 =	simm.s32 $0x5580;
	s8 =	sld [smem:$0x7E0]  }
0xaf: {  	[tilespmem:s7], [sflag:$0x1] =	stream.linear.gather [spmem:s6], $0x80, $0x38;
	[tilespmem:$0xA280] =	vst v63  }
0xb0: {  	s9 =	simm.s32 $0x5980;
	s6 =	sld [smem:$0x7E1]  }
0xb1: {  	[tilespmem:s9], [sflag:$0x1] =	stream.linear.gather [spmem:s8], $0x80, $0x38;
	[tilespmem:$0xA280] =	vst v63  }
0xb2: {  	s7 =	simm.s32 $0x5D80;
	s8 =	sld [smem:$0x7E2]  }
0xb3: {  	[tilespmem:s7], [sflag:$0x1] =	stream.linear.gather [spmem:s6], $0x80, $0x38;
	[tilespmem:$0xA280] =	vst v63  }
0xb4: {  	s9 =	simm.s32 $0x6180  }
0xb5: {  	[tilespmem:s9], [sflag:$0x1] =	stream.linear.gather [spmem:s8], $0x80, $0x38;
	[tilespmem:$0xA280] =	vst v63  }
0xb6: {  	_ =	swait.ge [sflag:s31], $0x280  }
0xb7: {  	[sflag:s31] =	ssyncset.done $0x0;
	s6 =	rddreg [dreg:$0xa]  }
0xb8: {  	s7 =	simm.s32 $0x5200;
	s8 =	sld [smem:$0x7E3];
	[sflag:s31] =	ssyncadd.s32 $0xFFFFFD80  }
0xb9: {  	[tilespmem:s7], [sflag:$0x1] =	stream.linear.gather [spmem:s6], $0x80, $0x38;
	[tilespmem:$0xA280] =	vst v63  }
0xba: {  	s9 =	simm.s32 $0x5600;
	s6 =	sld [smem:$0x7E4]  }
0xbb: {  	[tilespmem:s9], [sflag:$0x1] =	stream.linear.gather [spmem:s8], $0x80, $0x38;
	[tilespmem:$0xA280] =	vst v63  }
0xbc: {  	s7 =	simm.s32 $0x5A00;
	s8 =	sld [smem:$0x7E5]  }
0xbd: {  	[tilespmem:s7], [sflag:$0x1] =	stream.linear.gather [spmem:s6], $0x80, $0x38;
	[tilespmem:$0xA280] =	vst v63  }
0xbe: {  	s9 =	simm.s32 $0x5E00;
	s6 =	sld [smem:$0x7E6]  }
0xbf: {  	[tilespmem:s9], [sflag:$0x1] =	stream.linear.gather [spmem:s8], $0x80, $0x38;
	[tilespmem:$0xA280] =	vst v63  }
0xc0: {  	s7 =	simm.s32 $0x6200  }
0xc1: {  	[tilespmem:s7], [sflag:$0x1] =	stream.linear.gather [spmem:s6], $0x80, $0x38;
	[tilespmem:$0xA280] =	vst v63  }
0xc2: {  	_ =	swait.ge [sflag:s31], $0x280  }
0xc3: {  	[sflag:s31] =	ssyncset.done $0x0;
	s8 =	rddreg [dreg:$0xb]  }
0xc4: {  	s9 =	simm.s32 $0x5280;
	s6 =	sld [smem:$0x7E7];
	[sflag:s31] =	ssyncadd.s32 $0xFFFFFD80  }
0xc5: {  	[tilespmem:s9], [sflag:$0x1] =	stream.linear.gather [spmem:s8], $0x80, $0x38;
	[tilespmem:$0xA280] =	vst v63  }
0xc6: {  	s7 =	simm.s32 $0x5680;
	s8 =	sld [smem:$0x7E8]  }
0xc7: {  	[tilespmem:s7], [sflag:$0x1] =	stream.linear.gather [spmem:s6], $0x80, $0x38;
	[tilespmem:$0xA280] =	vst v63  }
0xc8: {  	s9 =	simm.s32 $0x5A80;
	s6 =	sld [smem:$0x7E9]  }
0xc9: {  	[tilespmem:s9], [sflag:$0x1] =	stream.linear.gather [spmem:s8], $0x80, $0x38;
	[tilespmem:$0xA280] =	vst v63  }
0xca: {  	s7 =	simm.s32 $0x5E80;
	s8 =	sld [smem:$0x7EA]  }
0xcb: {  	[tilespmem:s7], [sflag:$0x1] =	stream.linear.gather [spmem:s6], $0x80, $0x38;
	[tilespmem:$0xA280] =	vst v63  }
0xcc: {  	s9 =	simm.s32 $0x6280  }
0xcd: {  	[tilespmem:s9], [sflag:$0x1] =	stream.linear.gather [spmem:s8], $0x80, $0x38;
	[tilespmem:$0xA280] =	vst v63  }
0xce: {  	_ =	swait.ge [sflag:s31], $0x280  }
0xcf: {  	[sflag:s31] =	ssyncset.done $0x0;
	s6 =	rddreg [dreg:$0xc]  }
0xd0: {  	s7 =	simm.s32 $0x5300;
	s8 =	sld [smem:$0x7EB];
	[sflag:s31] =	ssyncadd.s32 $0xFFFFFD80  }
0xd1: {  	[tilespmem:s7], [sflag:$0x1] =	stream.linear.gather [spmem:s6], $0x80, $0x38;
	[tilespmem:$0xA280] =	vst v63  }
0xd2: {  	s9 =	simm.s32 $0x5700;
	s6 =	sld [smem:$0x7EC]  }
0xd3: {  	[tilespmem:s9], [sflag:$0x1] =	stream.linear.gather [spmem:s8], $0x80, $0x38;
	[tilespmem:$0xA280] =	vst v63  }
0xd4: {  	s7 =	simm.s32 $0x5B00;
	s8 =	sld [smem:$0x7ED]  }
0xd5: {  	[tilespmem:s7], [sflag:$0x1] =	stream.linear.gather [spmem:s6], $0x80, $0x38;
	[tilespmem:$0xA280] =	vst v63  }
0xd6: {  	s9 =	simm.s32 $0x5F00;
	s6 =	sld [smem:$0x7EE]  }
0xd7: {  	[tilespmem:s9], [sflag:$0x1] =	stream.linear.gather [spmem:s8], $0x80, $0x38;
	[tilespmem:$0xA280] =	vst v63  }
0xd8: {  	s7 =	simm.s32 $0x6300  }
0xd9: {  	[tilespmem:s7], [sflag:$0x1] =	stream.linear.gather [spmem:s6], $0x80, $0x38;
	[tilespmem:$0xA280] =	vst v63  }
0xda: {  	_ =	swait.ge [sflag:s31], $0x280  }
0xdb: {  	[sflag:s31] =	ssyncset.done $0x0;
	s8 =	rddreg [dreg:$0xd]  }
0xdc: {  	s9 =	simm.s32 $0x5380;
	s6 =	sld [smem:$0x7EF];
	[sflag:s31] =	ssyncadd.s32 $0xFFFFFD80  }
0xdd: {  	[tilespmem:s9], [sflag:$0x1] =	stream.linear.gather [spmem:s8], $0x80, $0x38;
	[tilespmem:$0xA280] =	vst v63  }
0xde: {  	s7 =	simm.s32 $0x5780;
	s8 =	sld [smem:$0x7F0]  }
0xdf: {  	[tilespmem:s7], [sflag:$0x1] =	stream.linear.gather [spmem:s6], $0x80, $0x38;
	[tilespmem:$0xA280] =	vst v63  }
0xe0: {  	s9 =	simm.s32 $0x5B80;
	s6 =	sld [smem:$0x7F1]  }
0xe1: {  	[tilespmem:s9], [sflag:$0x1] =	stream.linear.gather [spmem:s8], $0x80, $0x38;
	[tilespmem:$0xA280] =	vst v63  }
0xe2: {  	s7 =	simm.s32 $0x5F80;
	s8 =	sld [smem:$0x7F2]  }
0xe3: {  	[tilespmem:s7], [sflag:$0x1] =	stream.linear.gather [spmem:s6], $0x80, $0x38;
	[tilespmem:$0xA280] =	vst v63  }
0xe4: {  	s9 =	simm.s32 $0x6380  }
0xe5: {  	[tilespmem:s9], [sflag:$0x1] =	stream.linear.gather [spmem:s8], $0x80, $0x38;
	[tilespmem:$0xA280] =	vst v63  }
0xe6: {  	_ =	swait.ge [sflag:s31], $0x280  }
0xe7: {  	[sflag:s31] =	ssyncset.done $0x0;
	s6 =	rddreg [dreg:$0xe]  }
0xe8: {  	s7 =	simm.s32 $0x6400;
	s8 =	sld [smem:$0x7F3];
	[sflag:s31] =	ssyncadd.s32 $0xFFFFFD80  }
0xe9: {  	[tilespmem:s7], [sflag:$0x1] =	stream.linear.gather [spmem:s6], $0x80, $0x38;
	[tilespmem:$0xA280] =	vst v63  }
0xea: {  	s9 =	simm.s32 $0x6800;
	s6 =	sld [smem:$0x7F4]  }
0xeb: {  	[tilespmem:s9], [sflag:$0x1] =	stream.linear.gather [spmem:s8], $0x80, $0x38;
	[tilespmem:$0xA280] =	vst v63  }
0xec: {  	s7 =	simm.s32 $0x6C00;
	s8 =	sld [smem:$0x7F5]  }
0xed: {  	[tilespmem:s7], [sflag:$0x1] =	stream.linear.gather [spmem:s6], $0x80, $0x38;
	[tilespmem:$0xA280] =	vst v63  }
0xee: {  	s9 =	simm.s32 $0x7000;
	s6 =	sld [smem:$0x7F6]  }
0xef: {  	[tilespmem:s9], [sflag:$0x1] =	stream.linear.gather [spmem:s8], $0x80, $0x38;
	[tilespmem:$0xA280] =	vst v63  }
0xf0: {  	s7 =	simm.s32 $0x7400  }
0xf1: {  	[tilespmem:s7], [sflag:$0x1] =	stream.linear.gather [spmem:s6], $0x80, $0x38;
	[tilespmem:$0xA280] =	vst v63  }
0xf2: {  	_ =	swait.ge [sflag:s31], $0x280  }
0xf3: {  	[sflag:s31] =	ssyncset.done $0x0;
	s8 =	rddreg [dreg:$0xf]  }
0xf4: {  	s9 =	simm.s32 $0x6480;
	s6 =	sld [smem:$0x7F7];
	[sflag:s31] =	ssyncadd.s32 $0xFFFFFD80  }
0xf5: {  	[tilespmem:s9], [sflag:$0x1] =	stream.linear.gather [spmem:s8], $0x80, $0x38;
	[tilespmem:$0xA280] =	vst v63  }
0xf6: {  	s7 =	simm.s32 $0x6880;
	s8 =	sld [smem:$0x7F8]  }
0xf7: {  	[tilespmem:s7], [sflag:$0x1] =	stream.linear.gather [spmem:s6], $0x80, $0x38;
	[tilespmem:$0xA280] =	vst v63  }
0xf8: {  	s9 =	simm.s32 $0x6C80;
	s6 =	sld [smem:$0x7F9]  }
0xf9: {  	[tilespmem:s9], [sflag:$0x1] =	stream.linear.gather [spmem:s8], $0x80, $0x38;
	[tilespmem:$0xA280] =	vst v63  }
0xfa: {  	s7 =	simm.s32 $0x7080;
	s8 =	sld [smem:$0x7FA]  }
0xfb: {  	[tilespmem:s7], [sflag:$0x1] =	stream.linear.gather [spmem:s6], $0x80, $0x38;
	[tilespmem:$0xA280] =	vst v63  }
0xfc: {  	s9 =	simm.s32 $0x7480  }
0xfd: {  	[tilespmem:s9], [sflag:$0x1] =	stream.linear.gather [spmem:s8], $0x80, $0x38;
	[tilespmem:$0xA280] =	vst v63  }
0xfe: {  	_ =	swait.ge [sflag:s31], $0x280  }
0xff: {  	[sflag:s31] =	ssyncset.done $0x0;
	s6 =	rddreg [dreg:$0x10]  }
0x100: {  	s7 =	simm.s32 $0x6500;
	s8 =	sld [smem:$0x7FB];
	[sflag:s31] =	ssyncadd.s32 $0xFFFFFD80  }
0x101: {  	[tilespmem:s7], [sflag:$0x1] =	stream.linear.gather [spmem:s6], $0x80, $0x38;
	[tilespmem:$0xA280] =	vst v63  }
0x102: {  	s9 =	simm.s32 $0x6900;
	s6 =	sld [smem:$0x7FC]  }
0x103: {  	[tilespmem:s9], [sflag:$0x1] =	stream.linear.gather [spmem:s8], $0x80, $0x38;
	[tilespmem:$0xA280] =	vst v63  }
0x104: {  	s7 =	simm.s32 $0x6D00;
	s8 =	sld [smem:$0x7FD]  }
0x105: {  	[tilespmem:s7], [sflag:$0x1] =	stream.linear.gather [spmem:s6], $0x80, $0x38;
	[tilespmem:$0xA280] =	vst v63  }
0x106: {  	s9 =	simm.s32 $0x7100  }
0x107: {  	[tilespmem:s9], [sflag:$0x1] =	stream.linear.gather [spmem:s8], $0x80, $0x38;
	[tilespmem:$0xA280] =	vst v63  }
0x108: {  	s7 =	simm.s32 $0x7500  }
0x109: {  	[tilespmem:s7], [sflag:$0x1] =	stream.linear.gather [spmem:s10], $0x80, $0x38;
	[tilespmem:$0xA280] =	vst v63  }
0x10a: {  	_ =	swait.ge [sflag:s31], $0x280  }
0x10b: {  	[sflag:s31] =	ssyncset.done $0x0  }
0x10c: {  	s9 =	simm.s32 $0x6580;
	s8 =	rddreg [dreg:$0x11];
	[sflag:s31] =	ssyncadd.s32 $0xFFFFFD80  }
0x10d: {  	[tilespmem:s9], [sflag:$0x1] =	stream.linear.gather [spmem:s8], $0x80, $0x38;
	[tilespmem:$0xA280] =	vst v63  }
0x10e: {  	s6 =	simm.s32 $0x6980  }
0x10f: {  	[tilespmem:s6], [sflag:$0x1] =	stream.linear.gather [spmem:s11], $0x80, $0x38;
	[tilespmem:$0xA280] =	vst v63  }
0x110: {  	s7 =	simm.s32 $0x6D80  }
0x111: {  	[tilespmem:s7], [sflag:$0x1] =	stream.linear.gather [spmem:s3], $0x80, $0x38;
	[tilespmem:$0xA280] =	vst v63  }
0x112: {  	s8 =	simm.s32 $0x7180  }
0x113: {  	[tilespmem:s8], [sflag:$0x1] =	stream.linear.gather [spmem:s12], $0x80, $0x38;
	[tilespmem:$0xA280] =	vst v63  }
0x114: {  	s9 =	simm.s32 $0x7580  }
0x115: {  	[tilespmem:s9], [sflag:$0x1] =	stream.linear.gather [spmem:s13], $0x80, $0x38;
	[tilespmem:$0xA280] =	vst v63  }
0x116: {  	_ =	swait.ge [sflag:s31], $0x280  }
0x117: {  	[sflag:s31] =	ssyncset.done $0x0  }
0x118: {  	s7 =	simm.s32 $0x6600;
	s6 =	rddreg [dreg:$0x12];
	[sflag:s31] =	ssyncadd.s32 $0xFFFFFD80  }
0x119: {  	[tilespmem:s7], [sflag:$0x1] =	stream.linear.gather [spmem:s6], $0x80, $0x38;
	[tilespmem:$0xA280] =	vst v63  }
0x11a: {  	s8 =	simm.s32 $0x6A00  }
0x11b: {  	[tilespmem:s8], [sflag:$0x1] =	stream.linear.gather [spmem:s14], $0x80, $0x38;
	[tilespmem:$0xA280] =	vst v63  }
0x11c: {  	s9 =	simm.s32 $0x6E00  }
0x11d: {  	[tilespmem:s9], [sflag:$0x1] =	stream.linear.gather [spmem:s15], $0x80, $0x38;
	[tilespmem:$0xA280] =	vst v63  }
0x11e: {  	s6 =	simm.s32 $0x7200  }
0x11f: {  	[tilespmem:s6], [sflag:$0x1] =	stream.linear.gather [spmem:s16], $0x80, $0x38;
	[tilespmem:$0xA280] =	vst v63  }
0x120: {  	s7 =	simm.s32 $0x7600  }
0x121: {  	[tilespmem:s7], [sflag:$0x1] =	stream.linear.gather [spmem:s17], $0x80, $0x38;
	[tilespmem:$0xA280] =	vst v63  }
0x122: {  	_ =	swait.ge [sflag:s31], $0x280  }
0x123: {  	[sflag:s31] =	ssyncset.done $0x0  }
0x124: {  	s9 =	simm.s32 $0x6680;
	s8 =	rddreg [dreg:$0x13];
	[sflag:s31] =	ssyncadd.s32 $0xFFFFFD80  }
0x125: {  	[tilespmem:s9], [sflag:$0x1] =	stream.linear.gather [spmem:s8], $0x80, $0x38;
	[tilespmem:$0xA280] =	vst v63  }
0x126: {  	s6 =	simm.s32 $0x6A80  }
0x127: {  	[tilespmem:s6], [sflag:$0x1] =	stream.linear.gather [spmem:s18], $0x80, $0x38;
	[tilespmem:$0xA280] =	vst v63  }
0x128: {  	s7 =	simm.s32 $0x6E80  }
0x129: {  	[tilespmem:s7], [sflag:$0x1] =	stream.linear.gather [spmem:s19], $0x80, $0x38;
	[tilespmem:$0xA280] =	vst v63  }
0x12a: {  	s8 =	simm.s32 $0x7280  }
0x12b: {  	[tilespmem:s8], [sflag:$0x1] =	stream.linear.gather [spmem:s20], $0x80, $0x38;
	[tilespmem:$0xA280] =	vst v63  }
0x12c: {  	s9 =	simm.s32 $0x7680  }
0x12d: {  	[tilespmem:s9], [sflag:$0x1] =	stream.linear.gather [spmem:s21], $0x80, $0x38;
	[tilespmem:$0xA280] =	vst v63  }
0x12e: {  	_ =	swait.ge [sflag:s31], $0x280  }
0x12f: {  	[sflag:s31] =	ssyncset.done $0x0  }
0x130: {  	s7 =	simm.s32 $0x6700;
	s6 =	rddreg [dreg:$0x14];
	[sflag:s31] =	ssyncadd.s32 $0xFFFFFD80  }
0x131: {  	[tilespmem:s7], [sflag:$0x1] =	stream.linear.gather [spmem:s6], $0x80, $0x38;
	[tilespmem:$0xA280] =	vst v63  }
0x132: {  	s8 =	simm.s32 $0x6B00  }
0x133: {  	[tilespmem:s8], [sflag:$0x1] =	stream.linear.gather [spmem:s22], $0x80, $0x38;
	[tilespmem:$0xA280] =	vst v63  }
0x134: {  	s9 =	simm.s32 $0x6F00  }
0x135: {  	[tilespmem:s9], [sflag:$0x1] =	stream.linear.gather [spmem:s23], $0x80, $0x38;
	[tilespmem:$0xA280] =	vst v63  }
0x136: {  	s6 =	simm.s32 $0x7300  }
0x137: {  	[tilespmem:s6], [sflag:$0x1] =	stream.linear.gather [spmem:s24], $0x80, $0x38;
	[tilespmem:$0xA280] =	vst v63  }
0x138: {  	s7 =	simm.s32 $0x7700  }
0x139: {  	[tilespmem:s7], [sflag:$0x1] =	stream.linear.gather [spmem:s25], $0x80, $0x38;
	[tilespmem:$0xA280] =	vst v63  }
0x13a: {  	_ =	swait.ge [sflag:s31], $0x280  }
0x13b: {  	[sflag:s31] =	ssyncset.done $0x0  }
0x13c: {  	s9 =	simm.s32 $0x6780;
	s8 =	rddreg [dreg:$0x15];
	[sflag:s31] =	ssyncadd.s32 $0xFFFFFD80  }
0x13d: {  	[tilespmem:s9], [sflag:$0x1] =	stream.linear.gather [spmem:s8], $0x80, $0x38;
	[tilespmem:$0xA280] =	vst v63  }
0x13e: {  	s7 =	simm.s32 $0x6B80  }
0x13f: {  	[tilespmem:s7], [sflag:$0x1] =	stream.linear.gather [spmem:s26], $0x80, $0x38;
	[tilespmem:$0xA280] =	vst v63  }
0x140: {  	s8 =	simm.s32 $0x6F80  }
0x141: {  	[tilespmem:s8], [sflag:$0x1] =	stream.linear.gather [spmem:s28], $0x80, $0x38;
	[tilespmem:$0xA280] =	vst v63  }
0x142: {  	s9 =	simm.s32 $0x7380  }
0x143: {  	[tilespmem:s9], [sflag:$0x1] =	stream.linear.gather [spmem:s29], $0x80, $0x38;
	[tilespmem:$0xA280] =	vst v63  }
0x144: {  	s6 =	simm.s32 $0x7780  }
0x145: {  	[tilespmem:s6], [sflag:$0x1] =	stream.linear.gather [spmem:s30], $0x80, $0x38;
	[tilespmem:$0xA280] =	vst v63  }
0x146: {  	s7 =	simm.s32 $0x0;
	_ =	swait.ge [sflag:s31], $0x280  }
0x147: {  	s4 =	sand.u32 $0x1C00, s7;
	s8 =	sand.u32 $0x70, s7;
	[sflag:s31] =	ssyncset.done $0x0  }
0x148: {  	s4 =	sor.u32 s8, s4;
	[sflag:s31] =	ssyncadd.s32 $0xFFFFFD80  }
0x149: {  	v2 =	vld [tilespmem:s4+$0x5080]  }
0x14a: {  	v3 =	vld [tilespmem:s4+$0x5000];
	_ =	sdelay $0x1  }
0x14b: {  	v4 =	vld [tilespmem:s4+$0x5100];
	_ =	sdelay $0x1  }
0x14c: {  	v5 =	vld [tilespmem:s4+$0x5180]  }
0x14d: {  	v2 =	vadd.f32 v2, v3  }
0x14e: {  	v3 =	vld [tilespmem:s4+$0x5200]  }
0x14f: {  	v2 =	vadd.f32 v4, v2  }
0x150: {  	v56 =	vld [tilespmem:s4+$0x5280]  }
0x151: {  	v2 =	vadd.f32 v5, v2  }
0x152: {  	v57 =	vld [tilespmem:s4+$0x5300]  }
0x153: {  	v2 =	vadd.f32 v3, v2  }
0x154: {  	v3 =	vld [tilespmem:s4+$0x5380]  }
0x155: {  	v2 =	vadd.f32 v56, v2  }
0x156: {  	v58 =	vld [tilespmem:s4+$0x6400]  }
0x157: {  	v2 =	vadd.f32 v57, v2  }
0x158: {  	v59 =	vld [tilespmem:s4+$0x6480]  }
0x159: {  	v2 =	vadd.f32 v3, v2  }
0x15a: {  	v3 =	vld [tilespmem:s4+$0x6500]  }
0x15b: {  	v2 =	vadd.f32 v58, v2  }
0x15c: {  	v60 =	vld [tilespmem:s4+$0x6580]  }
0x15d: {  	v2 =	vadd.f32 v59, v2  }
0x15e: {  	v61 =	vld [tilespmem:s4+$0x6600]  }
0x15f: {  	v2 =	vadd.f32 v3, v2  }
0x160: {  	v3 =	vld [tilespmem:s4+$0x6680]  }
0x161: {  	v2 =	vadd.f32 v60, v2  }
0x162: {  	v62 =	vld [tilespmem:s4+$0x6700]  }
0x163: {  	v2 =	vadd.f32 v61, v2  }
0x164: {  	v63 =	vld [tilespmem:s4+$0x6780]  }
0x165: {  	v2 =	vadd.f32 v3, v2;
	_ =	sdelay $0x1  }
0x166: {  	v2 =	vadd.f32 v62, v2;
	_ =	sdelay $0x1  }
0x167: {  	s7 =	simm.s32 $0x80;
	s9 =	simm.s32 $0x10;
	v2 =	vadd.f32 v63, v2  }
0x168: {  	s8 =	sand.u32 $0x1C00, s7;
	s6 =	sand.u32 $0x70, s9;
	s4 =	simm.s32 $0x7800  }
0x169: {  	s6 =	sor.u32 s6, s8;
	s8 =	simm.s32 $0x20;
	[tilespmem:s4+$0x0] =	vst v2  }
.LBB2_8:
0x16a: {  	p0 =	sne.s32 s8, $0x270;
	v2 =	vld [tilespmem:s6+$0x5080]  }
0x16b: {  	v3 =	vld [tilespmem:s6+$0x5000];
	_ =	sdelay $0x1  }
0x16c: {  	v4 =	vld [tilespmem:s6+$0x5100];
	_ =	sdelay $0x1  }
0x16d: {  	v5 =	vld [tilespmem:s6+$0x5180]  }
0x16e: {  	v2 =	vadd.f32 v2, v3  }
0x16f: {  	v3 =	vld [tilespmem:s6+$0x5200]  }
0x170: {  	v2 =	vadd.f32 v4, v2  }
0x171: {  	v4 =	vld [tilespmem:s6+$0x5280]  }
0x172: {  	v2 =	vadd.f32 v5, v2  }
0x173: {  	v5 =	vld [tilespmem:s6+$0x5300]  }
0x174: {  	v2 =	vadd.f32 v3, v2  }
0x175: {  	v3 =	vld [tilespmem:s6+$0x5380]  }
0x176: {  	v2 =	vadd.f32 v4, v2  }
0x177: {  	v4 =	vld [tilespmem:s6+$0x6400]  }
0x178: {  	v2 =	vadd.f32 v5, v2  }
0x179: {  	v5 =	vld [tilespmem:s6+$0x6480]  }
0x17a: {  	v2 =	vadd.f32 v3, v2  }
0x17b: {  	v3 =	vld [tilespmem:s6+$0x6500]  }
0x17c: {  	v2 =	vadd.f32 v4, v2  }
0x17d: {  	v4 =	vld [tilespmem:s6+$0x6580]  }
0x17e: {  	v2 =	vadd.f32 v5, v2  }
0x17f: {  	v5 =	vld [tilespmem:s6+$0x6600]  }
0x180: {  	v2 =	vadd.f32 v3, v2  }
0x181: {  	v3 =	vld [tilespmem:s6+$0x6680]  }
0x182: {  	v2 =	vadd.f32 v4, v2  }
0x183: {  	v4 =	vld [tilespmem:s6+$0x6700]  }
0x184: {  	v2 =	vadd.f32 v5, v2  }
0x185: {  	v5 =	vld [tilespmem:s6+$0x6780]  }
0x186: {  	v2 =	vadd.f32 v3, v2;
	_ =	sdelay $0x1  }
.Ltmp3:
0x187: {  	v2 =	vadd.f32 v4, v2;
	(pc) =	sbr.rel @p0 .LBB2_8-.Ltmp3, $4  }
0x188: {  	_ = 	snop  }
0x189: {  	s7 =	sadd.s32 $0x80, s7;
	v2 =	vadd.f32 v5, v2  }
0x18a: {  	s4 =	sadd.s32 $0x10, s4;
	s9 =	sand.u32 $0x1C00, s7;
	s6 =	sand.u32 $0x70, s8  }
0x18b: {  	s8 =	sadd.s32 $0x10, s8;
	s6 =	sor.u32 s6, s9;
	[tilespmem:s4+$0x0] =	vst v2  }
0x18c: {  	v2 =	vld [tilespmem:s6+$0x5080]  }
0x18d: {  	v3 =	vld [tilespmem:s6+$0x5000];
	_ =	sdelay $0x1  }
0x18e: {  	v4 =	vld [tilespmem:s6+$0x5100];
	_ =	sdelay $0x1  }
0x18f: {  	v5 =	vld [tilespmem:s6+$0x5180]  }
0x190: {  	v2 =	vadd.f32 v2, v3  }
0x191: {  	v3 =	vld [tilespmem:s6+$0x5200]  }
0x192: {  	v2 =	vadd.f32 v4, v2  }
0x193: {  	v56 =	vld [tilespmem:s6+$0x5280]  }
0x194: {  	v2 =	vadd.f32 v5, v2  }
0x195: {  	v57 =	vld [tilespmem:s6+$0x5300]  }
0x196: {  	v2 =	vadd.f32 v3, v2  }
0x197: {  	v3 =	vld [tilespmem:s6+$0x5380]  }
0x198: {  	v2 =	vadd.f32 v56, v2  }
0x199: {  	v58 =	vld [tilespmem:s6+$0x6400]  }
0x19a: {  	v2 =	vadd.f32 v57, v2  }
0x19b: {  	v59 =	vld [tilespmem:s6+$0x6480]  }
0x19c: {  	v2 =	vadd.f32 v3, v2  }
0x19d: {  	v3 =	vld [tilespmem:s6+$0x6500]  }
0x19e: {  	v2 =	vadd.f32 v58, v2  }
0x19f: {  	v60 =	vld [tilespmem:s6+$0x6580]  }
0x1a0: {  	v2 =	vadd.f32 v59, v2  }
0x1a1: {  	v61 =	vld [tilespmem:s6+$0x6600]  }
0x1a2: {  	v2 =	vadd.f32 v3, v2  }
0x1a3: {  	v3 =	vld [tilespmem:s6+$0x6680]  }
0x1a4: {  	v2 =	vadd.f32 v60, v2  }
0x1a5: {  	v62 =	vld [tilespmem:s6+$0x6700]  }
0x1a6: {  	v2 =	vadd.f32 v61, v2  }
0x1a7: {  	v63 =	vld [tilespmem:s6+$0x6780]  }
0x1a8: {  	v2 =	vadd.f32 v3, v2;
	_ =	sdelay $0x1  }
0x1a9: {  	v2 =	vadd.f32 v62, v2;
	_ =	sdelay $0x1  }
0x1aa: {  	v2 =	vadd.f32 v63, v2  }
0x1ab: {  	s4 =	sadd.s32 $0x10, s4  }
0x1ac: {  	s8 =	simm.s32 $0x100;
	s7 =	simm.s32 $0x7800;
	s6 =	rddreg [dreg:$0x16];
	[tilespmem:s4+$0x0] =	vst v2  }
0x1ad: {  	[hbm4b:s6+s0] =	stream.strided.scatter [tilespmem:s7], [sflag:$0x1], $0x280, s8, s0, $0x38;
	[tilespmem:$0xA280] =	vst v63  }
0x1ae: {  	_ =	swait.ge [sflag:s31], $0x280  }
0x1af: {  	s2 =	sadd.s32 $0x1, s2;
	s9 =	rddreg [dreg:$0x17]  }
0x1b0: {  	p0 =	sne.s32 s2, s9  }
.Ltmp4:
0x1b1: {  	_ = 	snop;
	(pc) =	sbr.rel @p0 .LBB2_1-.Ltmp4, $3  }
0x1b2: {  	_ =	sdelay $0x1  }
0x1b3: {  	[sflag:s31] =	ssyncset.done $0x0  }
0x1b4: {  	[sflag:s31] =	ssyncadd.s32 $0xFFFFFD80  }
0x1b5: {  	_ =	sfence.sel $0x180000  }
0x1b6: {  	[bflag:$0x0] =	sbarrier.arrive $0xFFFF  }
0x1b7: {  	_ =	strace $0x90000047  }
0x1b8: {  	s0 =	stileid.u32;
	[bflag:$0x2] =	sbarrier.arrive $0xFFFF  }
0x1b9: {  	p0 =	sne.s32 s0, $0x0;
	s0 =	rddreg [dreg:$0x3]  }
0x1ba: {  	s0 =	sadd.s32 @!p0 $0x100000, s0  }
0x1bb: {  	[sflag:s0] =	ssyncadd.tile.s32 @!p0 $0x1;
	_ =	shalt  }
.Lfunc_end2:
_tile_overlayer_lowered:
.L_overlay_start_2:
0x1bc: {  	(tag) =	ssettag $0x2  }
0x1bd: {  	s0 =	rddreg [dreg:$0x0];
	s2 =	stileid.u32  }
0x1be: {  	s1 =	rddreg [dreg:$0x1];
	p0 =	sne.s32 s2, $0x0  }
0x1bf: {  	s3 =	rddreg [dreg:$0x2];
	[bflag:$0x3] =	sbarrier.arrive $0xFFFF;
	s2 =	simm.s32 @!p0 $0x1C01  }
0x1c0: {  	[timem:s3], [sflag:s2] =	dma.local @!p0 [hbm:s0], s1  }
0x1c1: {  	s0 =	simm.s32 @!p0 $0x1  }
0x1c2: {  	_ =	swait.ge @!p0 [sflag:s0], s1  }
0x1c3: {  	s1 =	ssub.s32 @!p0 $0x0, s1;
	[sflag:s0] =	ssyncset.done @!p0 $0x0  }
0x1c4: {  	[sflag:s0] =	ssyncadd.s32 @!p0 s1  }
0x1c5: {  	[bflag:$0x3] =	sbarrier.arrive $0xFFFF  }
0x1c6: {  	_ =	shalt  }

</sc_bundles>
